<compile_context>
chip_gen: v7x
topology: tpu7x:2x2x1
jax: 0.10.2.dev20260603
libtpu: 0.0.44.dev20260713+nightly
codegen_flags: <defaults>
</compile_context>

<pallas_src>
import functools

import jax
import jax.numpy as jnp
from jax import lax
from jax.experimental import pallas as pl
from jax.experimental.pallas import tpu as pltpu
from jax.experimental.pallas import tpu_sc as plsc

N = 10000
E = 320000
D = 128

NC = 2
NS = 16
NW = NC * NS
B = 128
GBLK = E // B
MAXB = GBLK // NW + 1
RPT = 632
NR = 3


def _sc_segment_sum(x, edge_index):
    mesh = plsc.VectorSubcoreMesh(core_axis_name="c", subcore_axis_name="s")

    @functools.partial(
        pl.kernel,
        out_type=jax.ShapeDtypeStruct((NC * N, D), jnp.float32),
        mesh=mesh,
        scratch_types=dict(
            acc=pltpu.VMEM_SHARED((N, D), jnp.float32),
            sidx=pltpu.VMEM((4, B), jnp.int32),
            didx=pltpu.VMEM((4, B), jnp.int32),
            rows=pltpu.VMEM((NR, B, D), jnp.float32),
            isem=pltpu.SemaphoreType.DMA,
            gsem=pltpu.SemaphoreType.DMA,
            ssem=pltpu.SemaphoreType.DMA,
        ),
    )
    def seg_sum(x_hbm, e_hbm, out_hbm, acc, sidx, didx, rows,
                isem, gsem, ssem):
        c = lax.axis_index("c")
        s = lax.axis_index("s")
        wid = c * NS + s
        nblk = GBLK // NW + jnp.where(wid < GBLK % NW, 1, 0)

        z = jnp.zeros((16,), jnp.float32)

        def zrow(i, carry):
            for g in range(D // 16):
                rows[0, i, pl.ds(g * 16, 16)] = z
            return carry
        lax.fori_loop(0, B, zrow, 0)

        for k in range(RPT // B):
            pltpu.sync_copy(rows.at[0], acc.at[pl.ds(s * RPT + k * B, B)])

        @pl.when(s < NS - 1)
        def _():
            pltpu.sync_copy(
                rows.at[0, pl.ds(0, RPT % B)],
                acc.at[pl.ds(s * RPT + (RPT // B) * B, RPT % B)])

        @pl.when(s == NS - 1)
        def _():
            rem = N - (NS - 1) * RPT - (RPT // B) * B
            pltpu.sync_copy(
                rows.at[0, pl.ds(0, rem)],
                acc.at[pl.ds(s * RPT + (RPT // B) * B, rem)])

        pltpu.sync_copy(e_hbm.at[1, pl.ds(wid * B, B)], sidx.at[0])
        pltpu.sync_copy(e_hbm.at[0, pl.ds(wid * B, B)], didx.at[0])
        pltpu.async_copy(x_hbm.at[sidx.at[0]], rows.at[0], gsem)

        @pl.when(1 < nblk)
        def _():
            g1 = NW + wid
            pltpu.async_copy(e_hbm.at[1, pl.ds(g1 * B, B)], sidx.at[1], isem)
            pltpu.async_copy(e_hbm.at[0, pl.ds(g1 * B, B)], didx.at[1], isem)

        plsc.subcore_barrier()

        def edge_body(m, carry):
            b0 = lax.rem(m, NR)
            b1 = lax.rem(m + 1, NR)
            i4 = lax.rem(m, 4)

            @pl.when(m + 1 < nblk)
            def _():
                pltpu.make_async_copy(
                    e_hbm.at[1, pl.ds(0, B)], sidx.at[0], isem).wait()
                pltpu.make_async_copy(
                    e_hbm.at[0, pl.ds(0, B)], didx.at[0], isem).wait()

            @pl.when(jnp.logical_and(m >= 2, m - 2 < nblk))
            def _():
                pltpu.make_async_copy(
                    rows.at[0], acc.at[pl.ds(0, B)], ssem).wait()

            @pl.when(m + 1 < nblk)
            def _():
                pltpu.async_copy(x_hbm.at[sidx.at[lax.rem(m + 1, 4)]],
                                 rows.at[b1], gsem)

            @pl.when(m + 2 < nblk)
            def _():
                p4 = lax.rem(m + 2, 4)
                g2 = (m + 2) * NW + wid
                pltpu.async_copy(e_hbm.at[1, pl.ds(g2 * B, B)],
                                 sidx.at[p4], isem)
                pltpu.async_copy(e_hbm.at[0, pl.ds(g2 * B, B)],
                                 didx.at[p4], isem)

            @pl.when(m < nblk)
            def _():
                pltpu.make_async_copy(
                    x_hbm.at[sidx.at[i4]], rows.at[b0], gsem).wait()

            @pl.when(m < nblk)
            def _():
                pltpu.async_copy(rows.at[b0], acc.at[didx.at[i4]], ssem,
                                 add=True)
            return carry
        lax.fori_loop(0, MAXB, edge_body, 0)

        pltpu.make_async_copy(rows.at[0], acc.at[pl.ds(0, B)], ssem).wait()

        @pl.when(wid < GBLK % NW)
        def _():
            pltpu.make_async_copy(
                rows.at[0], acc.at[pl.ds(0, B)], ssem).wait()

        plsc.subcore_barrier()

        @pl.when(s < NS - 1)
        def _():
            pltpu.sync_copy(acc.at[pl.ds(s * RPT, RPT)],
                            out_hbm.at[pl.ds(c * N + s * RPT, RPT)])

        @pl.when(s == NS - 1)
        def _():
            last = N - (NS - 1) * RPT
            pltpu.sync_copy(acc.at[pl.ds(s * RPT, last)],
                            out_hbm.at[pl.ds(c * N + s * RPT, last)])

    return seg_sum(x, edge_index)


def _tc_linear(partials, W):
    BN = N

    def body(p_ref, w_ref, o_ref):
        agg = p_ref[0] + p_ref[1]
        o_ref[...] = lax.dot_general(
            agg, w_ref[...], (((1,), (1,)), ((), ())),
            preferred_element_type=jnp.float32)

    return pl.pallas_call(
        body,
        grid=(N // BN,),
        in_specs=[
            pl.BlockSpec((2, BN, D), lambda i: (0, i, 0)),
            pl.BlockSpec((D, D), lambda i: (0, 0)),
        ],
        out_specs=pl.BlockSpec((BN, D), lambda i: (i, 0)),
        out_shape=jax.ShapeDtypeStruct((N, D), jnp.float32),
    )(partials.reshape(2, N, D), W)


def kernel(x, edge_index, W):
    partials = _sc_segment_sum(x, edge_index)
    return _tc_linear(partials, W)

# --- scband reference (transcript-rebuilt; emitter-appended) ---
"""Pipeline reference for scband-e8-lattice-layer-15951508537573 (READ-ONLY COPY).

The authoritative reference and input builder live on the scoring server;
editing this copy changes nothing except your own understanding.
"""

import jax, jax.numpy as jnp
import numpy as np

N = 10000
E = 320000
D_IN = 128
D_OUT = 128


def setup_inputs(seed: int = 0) -> dict:
    key = jax.random.key(seed)
    k1, k2, k3 = jax.random.split(key, 3)
    x = jax.random.normal(k1, (N, D_IN), dtype=jnp.float32)
    edge_index = jax.random.randint(k2, (2, E), 0, N, dtype=jnp.int32)
    # xavier_uniform_ init for weights of shape (out_f, in_f)
    bound = float(np.sqrt(6.0 / (D_IN + D_OUT)))
    W = jax.random.uniform(k3, (D_OUT, D_IN), minval=-bound, maxval=bound, dtype=jnp.float32)
    return {"x": x, "edge_index": edge_index, "W": W}


def reference(x, edge_index, W):
    # torch.sparse.mm(A, x) with A = coo(edge_index, ones, (N, N)):
    # out[i] = sum over edges e with row dst=edge_index[0,e], col src=edge_index[1,e] of x[src]
    src = edge_index[1]
    dst = edge_index[0]
    gathered = jnp.take(x, src, axis=0)                      # gather: [E, D_IN]
    neighbor_agg = jax.ops.segment_sum(gathered, dst, num_segments=N)  # scatter-add: [N, D_IN]
    # F.linear(neighbor_agg, W) = neighbor_agg @ W.T
    out = neighbor_agg @ W.T
    return out

if __name__ == "__main__":
    import jax
    _d = setup_inputs()
    print(jax.jit(kernel)(*tuple(_d.values())))

</pallas_src>

<mosaic_0001>
#map = affine_map<(d0, d1) -> (0, 0)>
module attributes {stable_mosaic.version = 14 : i64} {
  func.func @seg_sum(%arg0: i32, %arg1: i32, %arg2: memref<10000x128xf32, #tpu.memory_space<hbm>>, %arg3: memref<2x320000xi32, #tpu.memory_space<hbm>>, %arg4: memref<20000x128xf32, #tpu.memory_space<hbm>>, %arg5: memref<10000x128xf32, #tpu.memory_space<vmem_shared>>, %arg6: memref<4x128xi32, #tpu.memory_space<vmem>>, %arg7: memref<!tpu.dma_semaphore, #tpu.memory_space<semaphore_mem>>, %arg8: memref<!tpu.dma_semaphore, #tpu.memory_space<semaphore_mem>>, %arg9: memref<3x128x128xf32, #tpu.memory_space<vmem>>, %arg10: memref<4x128xi32, #tpu.memory_space<vmem>>, %arg11: memref<!tpu.dma_semaphore, #tpu.memory_space<semaphore_mem>>) attributes {dimension_semantics = [#tpu.dimension_semantics<core_parallel>, #tpu.dimension_semantics<subcore_parallel>], iteration_bounds = array<i64: 2, 16>, scalar_prefetch = 0 : i64, scratch_operands = 7 : i64, tpu.core_type = #tpu.core_type<sc_vector_subcore>, window_params = [{transform_indices = #map}, {transform_indices = #map}, {transform_indices = #map}]} {
    %mul3A = arith.constant 16 : i32
    %mul3A_0 = arith.muli %arg0, %mul3A : i32
    %add3A = arith.addi %mul3A_0, %arg1 : i32
    %lt3A = arith.constant 4 : i32
    %lt3A_1 = arith.cmpi slt, %add3A, %lt3A : i32
    %jit3A = arith.constant 1 : i32
    %jit3A_2 = arith.constant 0 : i32
    %select_n3A = arith.select %lt3A_1, %jit3A, %jit3A_2 : i32
    %add3A_3 = arith.constant 78 : i32
    %add3A_4 = arith.addi %add3A_3, %select_n3A : i32
    %broadcast_in_dim3A = arith.constant 0.000000e+00 : f32
    %broadcast_in_dim3A_5 = vector.broadcast %broadcast_in_dim3A : f32 to vector<16xf32>
    %scan3A = arith.constant 0 : i32
    %scan3A_6 = arith.constant 0 : i32
    %scan3A_7 = arith.constant 128 : i32
    %scan3A_8 = arith.addi %scan3A_6, %scan3A_7 : i32
    %scan3A_9 = arith.constant 1 : i32
    scf.for %scan3A_96 = %scan3A_6 to %scan3A_8 step %scan3A_9  : i32 {
      %swap3A = arith.constant 0 : i32
      %swap3A_97 = arith.index_cast %swap3A : i32 to index
      %swap3A_98 = arith.index_cast %scan3A_96 : i32 to index
      %swap3A_99 = arith.constant 0 : index
      %swap3A_100 = tpu.vector_load %arg9[%swap3A_97, %swap3A_98, %swap3A_99] {strides = array<i32>} : memref<3x128x128xf32, #tpu.memory_space<vmem>>, vector<1x1x16xf32>,
      %swap3A_101 = vector.shape_cast %swap3A_100 : vector<1x1x16xf32> to vector<16xf32>
      %swap3A_102 = vector.shape_cast %broadcast_in_dim3A_5 : vector<16xf32> to vector<1x1x16xf32>
      tpu.vector_store %arg9[%swap3A_97, %swap3A_98, %swap3A_99], %swap3A_102 {strides = array<i32>} : memref<3x128x128xf32, #tpu.memory_space<vmem>>, vector<1x1x16xf32>,
      %swap3A_103 = arith.constant 0 : i32
      %swap3A_104 = arith.index_cast %swap3A_103 : i32 to index
      %swap3A_105 = arith.index_cast %scan3A_96 : i32 to index
      %swap3A_106 = arith.constant 16 : index
      %swap3A_107 = tpu.vector_load %arg9[%swap3A_104, %swap3A_105, %swap3A_106] {strides = array<i32>} : memref<3x128x128xf32, #tpu.memory_space<vmem>>, vector<1x1x16xf32>,
      %swap3A_108 = vector.shape_cast %swap3A_107 : vector<1x1x16xf32> to vector<16xf32>
      %swap3A_109 = vector.shape_cast %broadcast_in_dim3A_5 : vector<16xf32> to vector<1x1x16xf32>
      tpu.vector_store %arg9[%swap3A_104, %swap3A_105, %swap3A_106], %swap3A_109 {strides = array<i32>} : memref<3x128x128xf32, #tpu.memory_space<vmem>>, vector<1x1x16xf32>,
      %swap3A_110 = arith.constant 0 : i32
      %swap3A_111 = arith.index_cast %swap3A_110 : i32 to index
      %swap3A_112 = arith.index_cast %scan3A_96 : i32 to index
      %swap3A_113 = arith.constant 32 : index
      %swap3A_114 = tpu.vector_load %arg9[%swap3A_111, %swap3A_112, %swap3A_113] {strides = array<i32>} : memref<3x128x128xf32, #tpu.memory_space<vmem>>, vector<1x1x16xf32>,
      %swap3A_115 = vector.shape_cast %swap3A_114 : vector<1x1x16xf32> to vector<16xf32>
      %swap3A_116 = vector.shape_cast %broadcast_in_dim3A_5 : vector<16xf32> to vector<1x1x16xf32>
      tpu.vector_store %arg9[%swap3A_111, %swap3A_112, %swap3A_113], %swap3A_116 {strides = array<i32>} : memref<3x128x128xf32, #tpu.memory_space<vmem>>, vector<1x1x16xf32>,
      %swap3A_117 = arith.constant 0 : i32
      %swap3A_118 = arith.index_cast %swap3A_117 : i32 to index
      %swap3A_119 = arith.index_cast %scan3A_96 : i32 to index
      %swap3A_120 = arith.constant 48 : index
      %swap3A_121 = tpu.vector_load %arg9[%swap3A_118, %swap3A_119, %swap3A_120] {strides = array<i32>} : memref<3x128x128xf32, #tpu.memory_space<vmem>>, vector<1x1x16xf32>,
      %swap3A_122 = vector.shape_cast %swap3A_121 : vector<1x1x16xf32> to vector<16xf32>
      %swap3A_123 = vector.shape_cast %broadcast_in_dim3A_5 : vector<16xf32> to vector<1x1x16xf32>
      tpu.vector_store %arg9[%swap3A_118, %swap3A_119, %swap3A_120], %swap3A_123 {strides = array<i32>} : memref<3x128x128xf32, #tpu.memory_space<vmem>>, vector<1x1x16xf32>,
      %swap3A_124 = arith.constant 0 : i32
      %swap3A_125 = arith.index_cast %swap3A_124 : i32 to index
      %swap3A_126 = arith.index_cast %scan3A_96 : i32 to index
      %swap3A_127 = arith.constant 64 : index
      %swap3A_128 = tpu.vector_load %arg9[%swap3A_125, %swap3A_126, %swap3A_127] {strides = array<i32>} : memref<3x128x128xf32, #tpu.memory_space<vmem>>, vector<1x1x16xf32>,
      %swap3A_129 = vector.shape_cast %swap3A_128 : vector<1x1x16xf32> to vector<16xf32>
      %swap3A_130 = vector.shape_cast %broadcast_in_dim3A_5 : vector<16xf32> to vector<1x1x16xf32>
      tpu.vector_store %arg9[%swap3A_125, %swap3A_126, %swap3A_127], %swap3A_130 {strides = array<i32>} : memref<3x128x128xf32, #tpu.memory_space<vmem>>, vector<1x1x16xf32>,
      %swap3A_131 = arith.constant 0 : i32
      %swap3A_132 = arith.index_cast %swap3A_131 : i32 to index
      %swap3A_133 = arith.index_cast %scan3A_96 : i32 to index
      %swap3A_134 = arith.constant 80 : index
      %swap3A_135 = tpu.vector_load %arg9[%swap3A_132, %swap3A_133, %swap3A_134] {strides = array<i32>} : memref<3x128x128xf32, #tpu.memory_space<vmem>>, vector<1x1x16xf32>,
      %swap3A_136 = vector.shape_cast %swap3A_135 : vector<1x1x16xf32> to vector<16xf32>
      %swap3A_137 = vector.shape_cast %broadcast_in_dim3A_5 : vector<16xf32> to vector<1x1x16xf32>
      tpu.vector_store %arg9[%swap3A_132, %swap3A_133, %swap3A_134], %swap3A_137 {strides = array<i32>} : memref<3x128x128xf32, #tpu.memory_space<vmem>>, vector<1x1x16xf32>,
      %swap3A_138 = arith.constant 0 : i32
      %swap3A_139 = arith.index_cast %swap3A_138 : i32 to index
      %swap3A_140 = arith.index_cast %scan3A_96 : i32 to index
      %swap3A_141 = arith.constant 96 : index
      %swap3A_142 = tpu.vector_load %arg9[%swap3A_139, %swap3A_140, %swap3A_141] {strides = array<i32>} : memref<3x128x128xf32, #tpu.memory_space<vmem>>, vector<1x1x16xf32>,
      %swap3A_143 = vector.shape_cast %swap3A_142 : vector<1x1x16xf32> to vector<16xf32>
      %swap3A_144 = vector.shape_cast %broadcast_in_dim3A_5 : vector<16xf32> to vector<1x1x16xf32>
      tpu.vector_store %arg9[%swap3A_139, %swap3A_140, %swap3A_141], %swap3A_144 {strides = array<i32>} : memref<3x128x128xf32, #tpu.memory_space<vmem>>, vector<1x1x16xf32>,
      %swap3A_145 = arith.constant 0 : i32
      %swap3A_146 = arith.index_cast %swap3A_145 : i32 to index
      %swap3A_147 = arith.index_cast %scan3A_96 : i32 to index
      %swap3A_148 = arith.constant 112 : index
      %swap3A_149 = tpu.vector_load %arg9[%swap3A_146, %swap3A_147, %swap3A_148] {strides = array<i32>} : memref<3x128x128xf32, #tpu.memory_space<vmem>>, vector<1x1x16xf32>,
      %swap3A_150 = vector.shape_cast %swap3A_149 : vector<1x1x16xf32> to vector<16xf32>
      %swap3A_151 = vector.shape_cast %broadcast_in_dim3A_5 : vector<16xf32> to vector<1x1x16xf32>
      tpu.vector_store %arg9[%swap3A_146, %swap3A_147, %swap3A_148], %swap3A_151 {strides = array<i32>} : memref<3x128x128xf32, #tpu.memory_space<vmem>>, vector<1x1x16xf32>,
    }
    %scan3A_10 = arith.constant 128 : i32
    %mul3A_11 = arith.constant 632 : i32
    %mul3A_12 = arith.muli %arg1, %mul3A_11 : i32
    %add3A_13 = arith.constant 0 : i32
    %add3A_14 = arith.addi %mul3A_12, %add3A_13 : i32
    %run_scoped3A = arith.constant 0 : i32
    "tpu.region"() ({
      %run_scoped3A_96 = tpu.sem_alloc : memref<!tpu.dma_semaphore, #tpu.memory_space<semaphore_mem>>
      %dma_start3A_97 = arith.constant 0 : i32
      %dma_start3A_98 = arith.constant 0 : i32
      %dma_start3A_99 = tpu.memref_slice %arg9[%run_scoped3A, %dma_start3A_97, %dma_start3A_98] : memref<3x128x128xf32, #tpu.memory_space<vmem>> -> memref<1x128x128xf32, #tpu.memory_space<vmem>>
      %dma_start3A_100 = tpu.memref_squeeze %dma_start3A_99 : memref<1x128x128xf32, #tpu.memory_space<vmem>> -> memref<128x128xf32, #tpu.memory_space<vmem>>
      %dma_start3A_101 = arith.constant 0 : i32
      %dma_start3A_102 = tpu.memref_slice %arg5[%add3A_14, %dma_start3A_101] : memref<10000x128xf32, #tpu.memory_space<vmem_shared>> -> memref<128x128xf32, #tpu.memory_space<vmem_shared>>
      %dma_start3A_103 = arith.constant 0 : i32
      %dma_start3A_104 = tpu.memref_slice %arg5[%add3A_14, %dma_start3A_103] : memref<10000x128xf32, #tpu.memory_space<vmem_shared>> -> memref<128x128xf32, #tpu.memory_space<vmem_shared>>
      %dma_start3A_105 = arith.constant 0 : i32
      %dma_start3A_106 = arith.constant 0 : i32
      %dma_start3A_107 = tpu.memref_slice %arg9[%run_scoped3A, %dma_start3A_105, %dma_start3A_106] : memref<3x128x128xf32, #tpu.memory_space<vmem>> -> memref<1x128x128xf32, #tpu.memory_space<vmem>>
      %dma_start3A_108 = tpu.memref_squeeze %dma_start3A_107 : memref<1x128x128xf32, #tpu.memory_space<vmem>> -> memref<128x128xf32, #tpu.memory_space<vmem>>
      tpu.enqueue_dma source(%dma_start3A_108 : memref<128x128xf32, #tpu.memory_space<vmem>>) target(%dma_start3A_104 : memref<128x128xf32, #tpu.memory_space<vmem_shared>>) target_semaphore(%run_scoped3A_96 : memref<!tpu.dma_semaphore, #tpu.memory_space<semaphore_mem>>)
      %dma_wait3A_109 = arith.constant 0 : i32
      %dma_wait3A_110 = arith.constant 0 : i32
      %dma_wait3A_111 = tpu.memref_slice %arg9[%run_scoped3A, %dma_wait3A_109, %dma_wait3A_110] : memref<3x128x128xf32, #tpu.memory_space<vmem>> -> memref<1x128x128xf32, #tpu.memory_space<vmem>>
      %dma_wait3A_112 = tpu.memref_squeeze %dma_wait3A_111 : memref<1x128x128xf32, #tpu.memory_space<vmem>> -> memref<128x128xf32, #tpu.memory_space<vmem>>
      %dma_wait3A_113 = arith.constant 0 : i32
      %dma_wait3A_114 = tpu.memref_slice %arg5[%add3A_14, %dma_wait3A_113] : memref<10000x128xf32, #tpu.memory_space<vmem_shared>> -> memref<128x128xf32, #tpu.memory_space<vmem_shared>>
      %dma_wait3A_115 = arith.constant 0 : i32
      %dma_wait3A_116 = tpu.memref_slice %arg5[%add3A_14, %dma_wait3A_115] : memref<10000x128xf32, #tpu.memory_space<vmem_shared>> -> memref<128x128xf32, #tpu.memory_space<vmem_shared>>
      %dma_wait3A_117 = arith.constant 0 : i32
      %dma_wait3A_118 = arith.constant 0 : i32
      %dma_wait3A_119 = tpu.memref_slice %arg9[%run_scoped3A, %dma_wait3A_117, %dma_wait3A_118] : memref<3x128x128xf32, #tpu.memory_space<vmem>> -> memref<1x128x128xf32, #tpu.memory_space<vmem>>
      %dma_wait3A_120 = tpu.memref_squeeze %dma_wait3A_119 : memref<1x128x128xf32, #tpu.memory_space<vmem>> -> memref<128x128xf32, #tpu.memory_space<vmem>>
      tpu.wait_dma2 semaphore(%run_scoped3A_96 : memref<!tpu.dma_semaphore, #tpu.memory_space<semaphore_mem>>) src(%dma_wait3A_120 : memref<128x128xf32, #tpu.memory_space<vmem>>) dst(%dma_wait3A_116 : memref<128x128xf32, #tpu.memory_space<vmem_shared>>)
      tpu.yield
    }) : () -> ()
    %mul3A_15 = arith.constant 632 : i32
    %mul3A_16 = arith.muli %arg1, %mul3A_15 : i32
    %add3A_17 = arith.constant 128 : i32
    %add3A_18 = arith.addi %mul3A_16, %add3A_17 : i32
    %run_scoped3A_19 = arith.constant 0 : i32
    "tpu.region"() ({
      %run_scoped3A_96 = tpu.sem_alloc : memref<!tpu.dma_semaphore, #tpu.memory_space<semaphore_mem>>
      %dma_start3A_97 = arith.constant 0 : i32
      %dma_start3A_98 = arith.constant 0 : i32
      %dma_start3A_99 = tpu.memref_slice %arg9[%run_scoped3A_19, %dma_start3A_97, %dma_start3A_98] : memref<3x128x128xf32, #tpu.memory_space<vmem>> -> memref<1x128x128xf32, #tpu.memory_space<vmem>>
      %dma_start3A_100 = tpu.memref_squeeze %dma_start3A_99 : memref<1x128x128xf32, #tpu.memory_space<vmem>> -> memref<128x128xf32, #tpu.memory_space<vmem>>
      %dma_start3A_101 = arith.constant 0 : i32
      %dma_start3A_102 = tpu.memref_slice %arg5[%add3A_18, %dma_start3A_101] : memref<10000x128xf32, #tpu.memory_space<vmem_shared>> -> memref<128x128xf32, #tpu.memory_space<vmem_shared>>
      %dma_start3A_103 = arith.constant 0 : i32
      %dma_start3A_104 = tpu.memref_slice %arg5[%add3A_18, %dma_start3A_103] : memref<10000x128xf32, #tpu.memory_space<vmem_shared>> -> memref<128x128xf32, #tpu.memory_space<vmem_shared>>
      %dma_start3A_105 = arith.constant 0 : i32
      %dma_start3A_106 = arith.constant 0 : i32
      %dma_start3A_107 = tpu.memref_slice %arg9[%run_scoped3A_19, %dma_start3A_105, %dma_start3A_106] : memref<3x128x128xf32, #tpu.memory_space<vmem>> -> memref<1x128x128xf32, #tpu.memory_space<vmem>>
      %dma_start3A_108 = tpu.memref_squeeze %dma_start3A_107 : memref<1x128x128xf32, #tpu.memory_space<vmem>> -> memref<128x128xf32, #tpu.memory_space<vmem>>
      tpu.enqueue_dma source(%dma_start3A_108 : memref<128x128xf32, #tpu.memory_space<vmem>>) target(%dma_start3A_104 : memref<128x128xf32, #tpu.memory_space<vmem_shared>>) target_semaphore(%run_scoped3A_96 : memref<!tpu.dma_semaphore, #tpu.memory_space<semaphore_mem>>)
      %dma_wait3A_109 = arith.constant 0 : i32
      %dma_wait3A_110 = arith.constant 0 : i32
      %dma_wait3A_111 = tpu.memref_slice %arg9[%run_scoped3A_19, %dma_wait3A_109, %dma_wait3A_110] : memref<3x128x128xf32, #tpu.memory_space<vmem>> -> memref<1x128x128xf32, #tpu.memory_space<vmem>>
      %dma_wait3A_112 = tpu.memref_squeeze %dma_wait3A_111 : memref<1x128x128xf32, #tpu.memory_space<vmem>> -> memref<128x128xf32, #tpu.memory_space<vmem>>
      %dma_wait3A_113 = arith.constant 0 : i32
      %dma_wait3A_114 = tpu.memref_slice %arg5[%add3A_18, %dma_wait3A_113] : memref<10000x128xf32, #tpu.memory_space<vmem_shared>> -> memref<128x128xf32, #tpu.memory_space<vmem_shared>>
      %dma_wait3A_115 = arith.constant 0 : i32
      %dma_wait3A_116 = tpu.memref_slice %arg5[%add3A_18, %dma_wait3A_115] : memref<10000x128xf32, #tpu.memory_space<vmem_shared>> -> memref<128x128xf32, #tpu.memory_space<vmem_shared>>
      %dma_wait3A_117 = arith.constant 0 : i32
      %dma_wait3A_118 = arith.constant 0 : i32
      %dma_wait3A_119 = tpu.memref_slice %arg9[%run_scoped3A_19, %dma_wait3A_117, %dma_wait3A_118] : memref<3x128x128xf32, #tpu.memory_space<vmem>> -> memref<1x128x128xf32, #tpu.memory_space<vmem>>
      %dma_wait3A_120 = tpu.memref_squeeze %dma_wait3A_119 : memref<1x128x128xf32, #tpu.memory_space<vmem>> -> memref<128x128xf32, #tpu.memory_space<vmem>>
      tpu.wait_dma2 semaphore(%run_scoped3A_96 : memref<!tpu.dma_semaphore, #tpu.memory_space<semaphore_mem>>) src(%dma_wait3A_120 : memref<128x128xf32, #tpu.memory_space<vmem>>) dst(%dma_wait3A_116 : memref<128x128xf32, #tpu.memory_space<vmem_shared>>)
      tpu.yield
    }) : () -> ()
    %mul3A_20 = arith.constant 632 : i32
    %mul3A_21 = arith.muli %arg1, %mul3A_20 : i32
    %add3A_22 = arith.constant 256 : i32
    %add3A_23 = arith.addi %mul3A_21, %add3A_22 : i32
    %run_scoped3A_24 = arith.constant 0 : i32
    "tpu.region"() ({
      %run_scoped3A_96 = tpu.sem_alloc : memref<!tpu.dma_semaphore, #tpu.memory_space<semaphore_mem>>
      %dma_start3A_97 = arith.constant 0 : i32
      %dma_start3A_98 = arith.constant 0 : i32
      %dma_start3A_99 = tpu.memref_slice %arg9[%run_scoped3A_24, %dma_start3A_97, %dma_start3A_98] : memref<3x128x128xf32, #tpu.memory_space<vmem>> -> memref<1x128x128xf32, #tpu.memory_space<vmem>>
      %dma_start3A_100 = tpu.memref_squeeze %dma_start3A_99 : memref<1x128x128xf32, #tpu.memory_space<vmem>> -> memref<128x128xf32, #tpu.memory_space<vmem>>
      %dma_start3A_101 = arith.constant 0 : i32
      %dma_start3A_102 = tpu.memref_slice %arg5[%add3A_23, %dma_start3A_101] : memref<10000x128xf32, #tpu.memory_space<vmem_shared>> -> memref<128x128xf32, #tpu.memory_space<vmem_shared>>
      %dma_start3A_103 = arith.constant 0 : i32
      %dma_start3A_104 = tpu.memref_slice %arg5[%add3A_23, %dma_start3A_103] : memref<10000x128xf32, #tpu.memory_space<vmem_shared>> -> memref<128x128xf32, #tpu.memory_space<vmem_shared>>
      %dma_start3A_105 = arith.constant 0 : i32
      %dma_start3A_106 = arith.constant 0 : i32
      %dma_start3A_107 = tpu.memref_slice %arg9[%run_scoped3A_24, %dma_start3A_105, %dma_start3A_106] : memref<3x128x128xf32, #tpu.memory_space<vmem>> -> memref<1x128x128xf32, #tpu.memory_space<vmem>>
      %dma_start3A_108 = tpu.memref_squeeze %dma_start3A_107 : memref<1x128x128xf32, #tpu.memory_space<vmem>> -> memref<128x128xf32, #tpu.memory_space<vmem>>
      tpu.enqueue_dma source(%dma_start3A_108 : memref<128x128xf32, #tpu.memory_space<vmem>>) target(%dma_start3A_104 : memref<128x128xf32, #tpu.memory_space<vmem_shared>>) target_semaphore(%run_scoped3A_96 : memref<!tpu.dma_semaphore, #tpu.memory_space<semaphore_mem>>)
      %dma_wait3A_109 = arith.constant 0 : i32
      %dma_wait3A_110 = arith.constant 0 : i32
      %dma_wait3A_111 = tpu.memref_slice %arg9[%run_scoped3A_24, %dma_wait3A_109, %dma_wait3A_110] : memref<3x128x128xf32, #tpu.memory_space<vmem>> -> memref<1x128x128xf32, #tpu.memory_space<vmem>>
      %dma_wait3A_112 = tpu.memref_squeeze %dma_wait3A_111 : memref<1x128x128xf32, #tpu.memory_space<vmem>> -> memref<128x128xf32, #tpu.memory_space<vmem>>
      %dma_wait3A_113 = arith.constant 0 : i32
      %dma_wait3A_114 = tpu.memref_slice %arg5[%add3A_23, %dma_wait3A_113] : memref<10000x128xf32, #tpu.memory_space<vmem_shared>> -> memref<128x128xf32, #tpu.memory_space<vmem_shared>>
      %dma_wait3A_115 = arith.constant 0 : i32
      %dma_wait3A_116 = tpu.memref_slice %arg5[%add3A_23, %dma_wait3A_115] : memref<10000x128xf32, #tpu.memory_space<vmem_shared>> -> memref<128x128xf32, #tpu.memory_space<vmem_shared>>
      %dma_wait3A_117 = arith.constant 0 : i32
      %dma_wait3A_118 = arith.constant 0 : i32
      %dma_wait3A_119 = tpu.memref_slice %arg9[%run_scoped3A_24, %dma_wait3A_117, %dma_wait3A_118] : memref<3x128x128xf32, #tpu.memory_space<vmem>> -> memref<1x128x128xf32, #tpu.memory_space<vmem>>
      %dma_wait3A_120 = tpu.memref_squeeze %dma_wait3A_119 : memref<1x128x128xf32, #tpu.memory_space<vmem>> -> memref<128x128xf32, #tpu.memory_space<vmem>>
      tpu.wait_dma2 semaphore(%run_scoped3A_96 : memref<!tpu.dma_semaphore, #tpu.memory_space<semaphore_mem>>) src(%dma_wait3A_120 : memref<128x128xf32, #tpu.memory_space<vmem>>) dst(%dma_wait3A_116 : memref<128x128xf32, #tpu.memory_space<vmem_shared>>)
      tpu.yield
    }) : () -> ()
    %mul3A_25 = arith.constant 632 : i32
    %mul3A_26 = arith.muli %arg1, %mul3A_25 : i32
    %add3A_27 = arith.constant 384 : i32
    %add3A_28 = arith.addi %mul3A_26, %add3A_27 : i32
    %run_scoped3A_29 = arith.constant 0 : i32
    "tpu.region"() ({
      %run_scoped3A_96 = tpu.sem_alloc : memref<!tpu.dma_semaphore, #tpu.memory_space<semaphore_mem>>
      %dma_start3A_97 = arith.constant 0 : i32
      %dma_start3A_98 = arith.constant 0 : i32
      %dma_start3A_99 = tpu.memref_slice %arg9[%run_scoped3A_29, %dma_start3A_97, %dma_start3A_98] : memref<3x128x128xf32, #tpu.memory_space<vmem>> -> memref<1x128x128xf32, #tpu.memory_space<vmem>>
      %dma_start3A_100 = tpu.memref_squeeze %dma_start3A_99 : memref<1x128x128xf32, #tpu.memory_space<vmem>> -> memref<128x128xf32, #tpu.memory_space<vmem>>
      %dma_start3A_101 = arith.constant 0 : i32
      %dma_start3A_102 = tpu.memref_slice %arg5[%add3A_28, %dma_start3A_101] : memref<10000x128xf32, #tpu.memory_space<vmem_shared>> -> memref<128x128xf32, #tpu.memory_space<vmem_shared>>
      %dma_start3A_103 = arith.constant 0 : i32
      %dma_start3A_104 = tpu.memref_slice %arg5[%add3A_28, %dma_start3A_103] : memref<10000x128xf32, #tpu.memory_space<vmem_shared>> -> memref<128x128xf32, #tpu.memory_space<vmem_shared>>
      %dma_start3A_105 = arith.constant 0 : i32
      %dma_start3A_106 = arith.constant 0 : i32
      %dma_start3A_107 = tpu.memref_slice %arg9[%run_scoped3A_29, %dma_start3A_105, %dma_start3A_106] : memref<3x128x128xf32, #tpu.memory_space<vmem>> -> memref<1x128x128xf32, #tpu.memory_space<vmem>>
      %dma_start3A_108 = tpu.memref_squeeze %dma_start3A_107 : memref<1x128x128xf32, #tpu.memory_space<vmem>> -> memref<128x128xf32, #tpu.memory_space<vmem>>
      tpu.enqueue_dma source(%dma_start3A_108 : memref<128x128xf32, #tpu.memory_space<vmem>>) target(%dma_start3A_104 : memref<128x128xf32, #tpu.memory_space<vmem_shared>>) target_semaphore(%run_scoped3A_96 : memref<!tpu.dma_semaphore, #tpu.memory_space<semaphore_mem>>)
      %dma_wait3A_109 = arith.constant 0 : i32
      %dma_wait3A_110 = arith.constant 0 : i32
      %dma_wait3A_111 = tpu.memref_slice %arg9[%run_scoped3A_29, %dma_wait3A_109, %dma_wait3A_110] : memref<3x128x128xf32, #tpu.memory_space<vmem>> -> memref<1x128x128xf32, #tpu.memory_space<vmem>>
      %dma_wait3A_112 = tpu.memref_squeeze %dma_wait3A_111 : memref<1x128x128xf32, #tpu.memory_space<vmem>> -> memref<128x128xf32, #tpu.memory_space<vmem>>
      %dma_wait3A_113 = arith.constant 0 : i32
      %dma_wait3A_114 = tpu.memref_slice %arg5[%add3A_28, %dma_wait3A_113] : memref<10000x128xf32, #tpu.memory_space<vmem_shared>> -> memref<128x128xf32, #tpu.memory_space<vmem_shared>>
      %dma_wait3A_115 = arith.constant 0 : i32
      %dma_wait3A_116 = tpu.memref_slice %arg5[%add3A_28, %dma_wait3A_115] : memref<10000x128xf32, #tpu.memory_space<vmem_shared>> -> memref<128x128xf32, #tpu.memory_space<vmem_shared>>
      %dma_wait3A_117 = arith.constant 0 : i32
      %dma_wait3A_118 = arith.constant 0 : i32
      %dma_wait3A_119 = tpu.memref_slice %arg9[%run_scoped3A_29, %dma_wait3A_117, %dma_wait3A_118] : memref<3x128x128xf32, #tpu.memory_space<vmem>> -> memref<1x128x128xf32, #tpu.memory_space<vmem>>
      %dma_wait3A_120 = tpu.memref_squeeze %dma_wait3A_119 : memref<1x128x128xf32, #tpu.memory_space<vmem>> -> memref<128x128xf32, #tpu.memory_space<vmem>>
      tpu.wait_dma2 semaphore(%run_scoped3A_96 : memref<!tpu.dma_semaphore, #tpu.memory_space<semaphore_mem>>) src(%dma_wait3A_120 : memref<128x128xf32, #tpu.memory_space<vmem>>) dst(%dma_wait3A_116 : memref<128x128xf32, #tpu.memory_space<vmem_shared>>)
      tpu.yield
    }) : () -> ()
    %lt3A_30 = arith.constant 15 : i32
    %lt3A_31 = arith.cmpi slt, %arg1, %lt3A_30 : i32
    %convert_element_type3A = arith.extui %lt3A_31 : i1 to i32
    %cond3A = arith.constant 0 : i32
    %cond3A_32 = arith.cmpi ne, %convert_element_type3A, %cond3A : i32
    scf.if %cond3A_32 {
      %mul3A_96 = arith.constant 632 : i32
      %mul3A_97 = arith.muli %arg1, %mul3A_96 : i32
      %add3A_98 = arith.constant 512 : i32
      %add3A_99 = arith.addi %mul3A_97, %add3A_98 : i32
      %run_scoped3A_100 = arith.constant 0 : i32
      "tpu.region"() ({
        %run_scoped3A_101 = tpu.sem_alloc : memref<!tpu.dma_semaphore, #tpu.memory_space<semaphore_mem>>
        %dma_start3A_102 = arith.constant 0 : i32
        %dma_start3A_103 = arith.constant 0 : i32
        %dma_start3A_104 = tpu.memref_slice %arg9[%run_scoped3A_100, %dma_start3A_102, %dma_start3A_103] : memref<3x128x128xf32, #tpu.memory_space<vmem>> -> memref<1x120x128xf32, #tpu.memory_space<vmem>>
        %dma_start3A_105 = tpu.memref_squeeze %dma_start3A_104 : memref<1x120x128xf32, #tpu.memory_space<vmem>> -> memref<120x128xf32, #tpu.memory_space<vmem>>
        %dma_start3A_106 = arith.constant 0 : i32
        %dma_start3A_107 = tpu.memref_slice %arg5[%add3A_99, %dma_start3A_106] : memref<10000x128xf32, #tpu.memory_space<vmem_shared>> -> memref<120x128xf32, #tpu.memory_space<vmem_shared>>
        %dma_start3A_108 = arith.constant 0 : i32
        %dma_start3A_109 = tpu.memref_slice %arg5[%add3A_99, %dma_start3A_108] : memref<10000x128xf32, #tpu.memory_space<vmem_shared>> -> memref<120x128xf32, #tpu.memory_space<vmem_shared>>
        %dma_start3A_110 = arith.constant 0 : i32
        %dma_start3A_111 = arith.constant 0 : i32
        %dma_start3A_112 = tpu.memref_slice %arg9[%run_scoped3A_100, %dma_start3A_110, %dma_start3A_111] : memref<3x128x128xf32, #tpu.memory_space<vmem>> -> memref<1x120x128xf32, #tpu.memory_space<vmem>>
        %dma_start3A_113 = tpu.memref_squeeze %dma_start3A_112 : memref<1x120x128xf32, #tpu.memory_space<vmem>> -> memref<120x128xf32, #tpu.memory_space<vmem>>
        tpu.enqueue_dma source(%dma_start3A_113 : memref<120x128xf32, #tpu.memory_space<vmem>>) target(%dma_start3A_109 : memref<120x128xf32, #tpu.memory_space<vmem_shared>>) target_semaphore(%run_scoped3A_101 : memref<!tpu.dma_semaphore, #tpu.memory_space<semaphore_mem>>)
        %dma_wait3A_114 = arith.constant 0 : i32
        %dma_wait3A_115 = arith.constant 0 : i32
        %dma_wait3A_116 = tpu.memref_slice %arg9[%run_scoped3A_100, %dma_wait3A_114, %dma_wait3A_115] : memref<3x128x128xf32, #tpu.memory_space<vmem>> -> memref<1x120x128xf32, #tpu.memory_space<vmem>>
        %dma_wait3A_117 = tpu.memref_squeeze %dma_wait3A_116 : memref<1x120x128xf32, #tpu.memory_space<vmem>> -> memref<120x128xf32, #tpu.memory_space<vmem>>
        %dma_wait3A_118 = arith.constant 0 : i32
        %dma_wait3A_119 = tpu.memref_slice %arg5[%add3A_99, %dma_wait3A_118] : memref<10000x128xf32, #tpu.memory_space<vmem_shared>> -> memref<120x128xf32, #tpu.memory_space<vmem_shared>>
        %dma_wait3A_120 = arith.constant 0 : i32
        %dma_wait3A_121 = tpu.memref_slice %arg5[%add3A_99, %dma_wait3A_120] : memref<10000x128xf32, #tpu.memory_space<vmem_shared>> -> memref<120x128xf32, #tpu.memory_space<vmem_shared>>
        %dma_wait3A_122 = arith.constant 0 : i32
        %dma_wait3A_123 = arith.constant 0 : i32
        %dma_wait3A_124 = tpu.memref_slice %arg9[%run_scoped3A_100, %dma_wait3A_122, %dma_wait3A_123] : memref<3x128x128xf32, #tpu.memory_space<vmem>> -> memref<1x120x128xf32, #tpu.memory_space<vmem>>
        %dma_wait3A_125 = tpu.memref_squeeze %dma_wait3A_124 : memref<1x120x128xf32, #tpu.memory_space<vmem>> -> memref<120x128xf32, #tpu.memory_space<vmem>>
        tpu.wait_dma2 semaphore(%run_scoped3A_101 : memref<!tpu.dma_semaphore, #tpu.memory_space<semaphore_mem>>) src(%dma_wait3A_125 : memref<120x128xf32, #tpu.memory_space<vmem>>) dst(%dma_wait3A_121 : memref<120x128xf32, #tpu.memory_space<vmem_shared>>)
        tpu.yield
      }) : () -> ()
    } else {
    }
    %eq3A = arith.constant 15 : i32
    %eq3A_33 = arith.cmpi eq, %arg1, %eq3A : i32
    %convert_element_type3A_34 = arith.extui %eq3A_33 : i1 to i32
    %cond3A_35 = arith.constant 0 : i32
    %cond3A_36 = arith.cmpi ne, %convert_element_type3A_34, %cond3A_35 : i32
    scf.if %cond3A_36 {
      %mul3A_96 = arith.constant 632 : i32
      %mul3A_97 = arith.muli %arg1, %mul3A_96 : i32
      %add3A_98 = arith.constant 512 : i32
      %add3A_99 = arith.addi %mul3A_97, %add3A_98 : i32
      %run_scoped3A_100 = arith.constant 0 : i32
      "tpu.region"() ({
        %run_scoped3A_101 = tpu.sem_alloc : memref<!tpu.dma_semaphore, #tpu.memory_space<semaphore_mem>>
        %dma_start3A_102 = arith.constant 0 : i32
        %dma_start3A_103 = arith.constant 0 : i32
        %dma_start3A_104 = tpu.memref_slice %arg9[%run_scoped3A_100, %dma_start3A_102, %dma_start3A_103] : memref<3x128x128xf32, #tpu.memory_space<vmem>> -> memref<1x8x128xf32, #tpu.memory_space<vmem>>
        %dma_start3A_105 = tpu.memref_squeeze %dma_start3A_104 : memref<1x8x128xf32, #tpu.memory_space<vmem>> -> memref<8x128xf32, #tpu.memory_space<vmem>>
        %dma_start3A_106 = arith.constant 0 : i32
        %dma_start3A_107 = tpu.memref_slice %arg5[%add3A_99, %dma_start3A_106] : memref<10000x128xf32, #tpu.memory_space<vmem_shared>> -> memref<8x128xf32, #tpu.memory_space<vmem_shared>>
        %dma_start3A_108 = arith.constant 0 : i32
        %dma_start3A_109 = tpu.memref_slice %arg5[%add3A_99, %dma_start3A_108] : memref<10000x128xf32, #tpu.memory_space<vmem_shared>> -> memref<8x128xf32, #tpu.memory_space<vmem_shared>>
        %dma_start3A_110 = arith.constant 0 : i32
        %dma_start3A_111 = arith.constant 0 : i32
        %dma_start3A_112 = tpu.memref_slice %arg9[%run_scoped3A_100, %dma_start3A_110, %dma_start3A_111] : memref<3x128x128xf32, #tpu.memory_space<vmem>> -> memref<1x8x128xf32, #tpu.memory_space<vmem>>
        %dma_start3A_113 = tpu.memref_squeeze %dma_start3A_112 : memref<1x8x128xf32, #tpu.memory_space<vmem>> -> memref<8x128xf32, #tpu.memory_space<vmem>>
        tpu.enqueue_dma source(%dma_start3A_113 : memref<8x128xf32, #tpu.memory_space<vmem>>) target(%dma_start3A_109 : memref<8x128xf32, #tpu.memory_space<vmem_shared>>) target_semaphore(%run_scoped3A_101 : memref<!tpu.dma_semaphore, #tpu.memory_space<semaphore_mem>>)
        %dma_wait3A_114 = arith.constant 0 : i32
        %dma_wait3A_115 = arith.constant 0 : i32
        %dma_wait3A_116 = tpu.memref_slice %arg9[%run_scoped3A_100, %dma_wait3A_114, %dma_wait3A_115] : memref<3x128x128xf32, #tpu.memory_space<vmem>> -> memref<1x8x128xf32, #tpu.memory_space<vmem>>
        %dma_wait3A_117 = tpu.memref_squeeze %dma_wait3A_116 : memref<1x8x128xf32, #tpu.memory_space<vmem>> -> memref<8x128xf32, #tpu.memory_space<vmem>>
        %dma_wait3A_118 = arith.constant 0 : i32
        %dma_wait3A_119 = tpu.memref_slice %arg5[%add3A_99, %dma_wait3A_118] : memref<10000x128xf32, #tpu.memory_space<vmem_shared>> -> memref<8x128xf32, #tpu.memory_space<vmem_shared>>
        %dma_wait3A_120 = arith.constant 0 : i32
        %dma_wait3A_121 = tpu.memref_slice %arg5[%add3A_99, %dma_wait3A_120] : memref<10000x128xf32, #tpu.memory_space<vmem_shared>> -> memref<8x128xf32, #tpu.memory_space<vmem_shared>>
        %dma_wait3A_122 = arith.constant 0 : i32
        %dma_wait3A_123 = arith.constant 0 : i32
        %dma_wait3A_124 = tpu.memref_slice %arg9[%run_scoped3A_100, %dma_wait3A_122, %dma_wait3A_123] : memref<3x128x128xf32, #tpu.memory_space<vmem>> -> memref<1x8x128xf32, #tpu.memory_space<vmem>>
        %dma_wait3A_125 = tpu.memref_squeeze %dma_wait3A_124 : memref<1x8x128xf32, #tpu.memory_space<vmem>> -> memref<8x128xf32, #tpu.memory_space<vmem>>
        tpu.wait_dma2 semaphore(%run_scoped3A_101 : memref<!tpu.dma_semaphore, #tpu.memory_space<semaphore_mem>>) src(%dma_wait3A_125 : memref<8x128xf32, #tpu.memory_space<vmem>>) dst(%dma_wait3A_121 : memref<8x128xf32, #tpu.memory_space<vmem_shared>>)
        tpu.yield
      }) : () -> ()
    } else {
    }
    %mul3A_37 = arith.constant 128 : i32
    %mul3A_38 = arith.muli %add3A, %mul3A_37 : i32
    %run_scoped3A_39 = arith.constant 1 : i32
    %run_scoped3A_40 = arith.constant 0 : i32
    "tpu.region"() ({
      %run_scoped3A_96 = tpu.sem_alloc : memref<!tpu.dma_semaphore, #tpu.memory_space<semaphore_mem>>
      %dma_start3A_97 = arith.constant 0 : i32
      %dma_start3A_98 = tpu.memref_slice %arg10[%run_scoped3A_40, %dma_start3A_97] : memref<4x128xi32, #tpu.memory_space<vmem>> -> memref<1x128xi32, #tpu.memory_space<vmem>>
      %dma_start3A_99 = tpu.memref_squeeze %dma_start3A_98 : memref<1x128xi32, #tpu.memory_space<vmem>> -> memref<128xi32, #tpu.memory_space<vmem>>
      %dma_start3A_100 = tpu.memref_slice %arg3[%run_scoped3A_39, %mul3A_38] : memref<2x320000xi32, #tpu.memory_space<hbm>> -> memref<1x128xi32, #tpu.memory_space<hbm>>
      %dma_start3A_101 = tpu.memref_squeeze %dma_start3A_100 : memref<1x128xi32, #tpu.memory_space<hbm>> -> memref<128xi32, #tpu.memory_space<hbm>>
      %dma_start3A_102 = arith.constant 0 : i32
      %dma_start3A_103 = tpu.memref_slice %arg10[%run_scoped3A_40, %dma_start3A_102] : memref<4x128xi32, #tpu.memory_space<vmem>> -> memref<1x128xi32, #tpu.memory_space<vmem>>
      %dma_start3A_104 = tpu.memref_squeeze %dma_start3A_103 : memref<1x128xi32, #tpu.memory_space<vmem>> -> memref<128xi32, #tpu.memory_space<vmem>>
      %dma_start3A_105 = tpu.memref_slice %arg3[%run_scoped3A_39, %mul3A_38] : memref<2x320000xi32, #tpu.memory_space<hbm>> -> memref<1x128xi32, #tpu.memory_space<hbm>>
      %dma_start3A_106 = tpu.memref_squeeze %dma_start3A_105 : memref<1x128xi32, #tpu.memory_space<hbm>> -> memref<128xi32, #tpu.memory_space<hbm>>
      tpu.enqueue_dma source(%dma_start3A_106 : memref<128xi32, #tpu.memory_space<hbm>>) target(%dma_start3A_104 : memref<128xi32, #tpu.memory_space<vmem>>) target_semaphore(%run_scoped3A_96 : memref<!tpu.dma_semaphore, #tpu.memory_space<semaphore_mem>>)
      %dma_wait3A_107 = arith.constant 0 : i32
      %dma_wait3A_108 = tpu.memref_slice %arg10[%run_scoped3A_40, %dma_wait3A_107] : memref<4x128xi32, #tpu.memory_space<vmem>> -> memref<1x128xi32, #tpu.memory_space<vmem>>
      %dma_wait3A_109 = tpu.memref_squeeze %dma_wait3A_108 : memref<1x128xi32, #tpu.memory_space<vmem>> -> memref<128xi32, #tpu.memory_space<vmem>>
      %dma_wait3A_110 = tpu.memref_slice %arg3[%run_scoped3A_39, %mul3A_38] : memref<2x320000xi32, #tpu.memory_space<hbm>> -> memref<1x128xi32, #tpu.memory_space<hbm>>
      %dma_wait3A_111 = tpu.memref_squeeze %dma_wait3A_110 : memref<1x128xi32, #tpu.memory_space<hbm>> -> memref<128xi32, #tpu.memory_space<hbm>>
      %dma_wait3A_112 = arith.constant 0 : i32
      %dma_wait3A_113 = tpu.memref_slice %arg10[%run_scoped3A_40, %dma_wait3A_112] : memref<4x128xi32, #tpu.memory_space<vmem>> -> memref<1x128xi32, #tpu.memory_space<vmem>>
      %dma_wait3A_114 = tpu.memref_squeeze %dma_wait3A_113 : memref<1x128xi32, #tpu.memory_space<vmem>> -> memref<128xi32, #tpu.memory_space<vmem>>
      %dma_wait3A_115 = tpu.memref_slice %arg3[%run_scoped3A_39, %mul3A_38] : memref<2x320000xi32, #tpu.memory_space<hbm>> -> memref<1x128xi32, #tpu.memory_space<hbm>>
      %dma_wait3A_116 = tpu.memref_squeeze %dma_wait3A_115 : memref<1x128xi32, #tpu.memory_space<hbm>> -> memref<128xi32, #tpu.memory_space<hbm>>
      tpu.wait_dma2 semaphore(%run_scoped3A_96 : memref<!tpu.dma_semaphore, #tpu.memory_space<semaphore_mem>>) src(%dma_wait3A_116 : memref<128xi32, #tpu.memory_space<hbm>>) dst(%dma_wait3A_114 : memref<128xi32, #tpu.memory_space<vmem>>)
      tpu.yield
    }) : () -> ()
    %mul3A_41 = arith.constant 128 : i32
    %mul3A_42 = arith.muli %add3A, %mul3A_41 : i32
    %run_scoped3A_43 = arith.constant 0 : i32
    %run_scoped3A_44 = arith.constant 0 : i32
    "tpu.region"() ({
      %run_scoped3A_96 = tpu.sem_alloc : memref<!tpu.dma_semaphore, #tpu.memory_space<semaphore_mem>>
      %dma_start3A_97 = arith.constant 0 : i32
      %dma_start3A_98 = tpu.memref_slice %arg6[%run_scoped3A_44, %dma_start3A_97] : memref<4x128xi32, #tpu.memory_space<vmem>> -> memref<1x128xi32, #tpu.memory_space<vmem>>
      %dma_start3A_99 = tpu.memref_squeeze %dma_start3A_98 : memref<1x128xi32, #tpu.memory_space<vmem>> -> memref<128xi32, #tpu.memory_space<vmem>>
      %dma_start3A_100 = tpu.memref_slice %arg3[%run_scoped3A_43, %mul3A_42] : memref<2x320000xi32, #tpu.memory_space<hbm>> -> memref<1x128xi32, #tpu.memory_space<hbm>>
      %dma_start3A_101 = tpu.memref_squeeze %dma_start3A_100 : memref<1x128xi32, #tpu.memory_space<hbm>> -> memref<128xi32, #tpu.memory_space<hbm>>
      %dma_start3A_102 = arith.constant 0 : i32
      %dma_start3A_103 = tpu.memref_slice %arg6[%run_scoped3A_44, %dma_start3A_102] : memref<4x128xi32, #tpu.memory_space<vmem>> -> memref<1x128xi32, #tpu.memory_space<vmem>>
      %dma_start3A_104 = tpu.memref_squeeze %dma_start3A_103 : memref<1x128xi32, #tpu.memory_space<vmem>> -> memref<128xi32, #tpu.memory_space<vmem>>
      %dma_start3A_105 = tpu.memref_slice %arg3[%run_scoped3A_43, %mul3A_42] : memref<2x320000xi32, #tpu.memory_space<hbm>> -> memref<1x128xi32, #tpu.memory_space<hbm>>
      %dma_start3A_106 = tpu.memref_squeeze %dma_start3A_105 : memref<1x128xi32, #tpu.memory_space<hbm>> -> memref<128xi32, #tpu.memory_space<hbm>>
      tpu.enqueue_dma source(%dma_start3A_106 : memref<128xi32, #tpu.memory_space<hbm>>) target(%dma_start3A_104 : memref<128xi32, #tpu.memory_space<vmem>>) target_semaphore(%run_scoped3A_96 : memref<!tpu.dma_semaphore, #tpu.memory_space<semaphore_mem>>)
      %dma_wait3A_107 = arith.constant 0 : i32
      %dma_wait3A_108 = tpu.memref_slice %arg6[%run_scoped3A_44, %dma_wait3A_107] : memref<4x128xi32, #tpu.memory_space<vmem>> -> memref<1x128xi32, #tpu.memory_space<vmem>>
      %dma_wait3A_109 = tpu.memref_squeeze %dma_wait3A_108 : memref<1x128xi32, #tpu.memory_space<vmem>> -> memref<128xi32, #tpu.memory_space<vmem>>
      %dma_wait3A_110 = tpu.memref_slice %arg3[%run_scoped3A_43, %mul3A_42] : memref<2x320000xi32, #tpu.memory_space<hbm>> -> memref<1x128xi32, #tpu.memory_space<hbm>>
      %dma_wait3A_111 = tpu.memref_squeeze %dma_wait3A_110 : memref<1x128xi32, #tpu.memory_space<hbm>> -> memref<128xi32, #tpu.memory_space<hbm>>
      %dma_wait3A_112 = arith.constant 0 : i32
      %dma_wait3A_113 = tpu.memref_slice %arg6[%run_scoped3A_44, %dma_wait3A_112] : memref<4x128xi32, #tpu.memory_space<vmem>> -> memref<1x128xi32, #tpu.memory_space<vmem>>
      %dma_wait3A_114 = tpu.memref_squeeze %dma_wait3A_113 : memref<1x128xi32, #tpu.memory_space<vmem>> -> memref<128xi32, #tpu.memory_space<vmem>>
      %dma_wait3A_115 = tpu.memref_slice %arg3[%run_scoped3A_43, %mul3A_42] : memref<2x320000xi32, #tpu.memory_space<hbm>> -> memref<1x128xi32, #tpu.memory_space<hbm>>
      %dma_wait3A_116 = tpu.memref_squeeze %dma_wait3A_115 : memref<1x128xi32, #tpu.memory_space<hbm>> -> memref<128xi32, #tpu.memory_space<hbm>>
      tpu.wait_dma2 semaphore(%run_scoped3A_96 : memref<!tpu.dma_semaphore, #tpu.memory_space<semaphore_mem>>) src(%dma_wait3A_116 : memref<128xi32, #tpu.memory_space<hbm>>) dst(%dma_wait3A_114 : memref<128xi32, #tpu.memory_space<vmem>>)
      tpu.yield
    }) : () -> ()
    %dma_start3A = arith.constant 0 : i32
    %dma_start3A_45 = arith.constant 0 : i32
    %dma_start3A_46 = arith.constant 0 : i32
    %dma_start3A_47 = arith.constant 0 : i32
    %dma_start3A_48 = tpu.memref_slice %arg9[%dma_start3A_45, %dma_start3A_46, %dma_start3A_47] : memref<3x128x128xf32, #tpu.memory_space<vmem>> -> memref<1x128x128xf32, #tpu.memory_space<vmem>>
    %dma_start3A_49 = tpu.memref_squeeze %dma_start3A_48 : memref<1x128x128xf32, #tpu.memory_space<vmem>> -> memref<128x128xf32, #tpu.memory_space<vmem>>
    %dma_start3A_50 = arith.constant 0 : i32
    %dma_start3A_51 = tpu.memref_slice %arg10[%dma_start3A, %dma_start3A_50] : memref<4x128xi32, #tpu.memory_space<vmem>> -> memref<1x128xi32, #tpu.memory_space<vmem>>
    %dma_start3A_52 = tpu.memref_squeeze %dma_start3A_51 : memref<1x128xi32, #tpu.memory_space<vmem>> -> memref<128xi32, #tpu.memory_space<vmem>>
    %dma_start3A_53 = arith.constant 0 : i32
    %dma_start3A_54 = arith.constant 0 : i32
    %dma_start3A_55 = tpu.memref_slice %arg2[%dma_start3A_53, %dma_start3A_54] : memref<10000x128xf32, #tpu.memory_space<hbm>> -> memref<10000x128xf32, #tpu.memory_space<hbm>>
    tpu.enqueue_indirect_dma source(%dma_start3A_55 : memref<10000x128xf32, #tpu.memory_space<hbm>>) target(%dma_start3A_49 : memref<128x128xf32, #tpu.memory_space<vmem>>) offsets(%dma_start3A_52 : memref<128xi32, #tpu.memory_space<vmem>>) semaphore(%arg7 : memref<!tpu.dma_semaphore, #tpu.memory_space<semaphore_mem>>)
    %gt3A = arith.constant 1 : i32
    %gt3A_56 = arith.cmpi sgt, %add3A_4, %gt3A : i32
    %convert_element_type3A_57 = arith.extui %gt3A_56 : i1 to i32
    %cond3A_58 = arith.constant 0 : i32
    %cond3A_59 = arith.cmpi ne, %convert_element_type3A_57, %cond3A_58 : i32
    scf.if %cond3A_59 {
      %add3A_96 = arith.constant 32 : i32
      %add3A_97 = arith.addi %add3A_96, %add3A : i32
      %mul3A_98 = arith.constant 128 : i32
      %mul3A_99 = arith.muli %add3A_97, %mul3A_98 : i32
      %dma_start3A_100 = arith.constant 1 : i32
      %dma_start3A_101 = arith.constant 1 : i32
      %dma_start3A_102 = arith.constant 0 : i32
      %dma_start3A_103 = tpu.memref_slice %arg10[%dma_start3A_101, %dma_start3A_102] : memref<4x128xi32, #tpu.memory_space<vmem>> -> memref<1x128xi32, #tpu.memory_space<vmem>>
      %dma_start3A_104 = tpu.memref_squeeze %dma_start3A_103 : memref<1x128xi32, #tpu.memory_space<vmem>> -> memref<128xi32, #tpu.memory_space<vmem>>
      %dma_start3A_105 = tpu.memref_slice %arg3[%dma_start3A_100, %mul3A_99] : memref<2x320000xi32, #tpu.memory_space<hbm>> -> memref<1x128xi32, #tpu.memory_space<hbm>>
      %dma_start3A_106 = tpu.memref_squeeze %dma_start3A_105 : memref<1x128xi32, #tpu.memory_space<hbm>> -> memref<128xi32, #tpu.memory_space<hbm>>
      %dma_start3A_107 = arith.constant 0 : i32
      %dma_start3A_108 = tpu.memref_slice %arg10[%dma_start3A_101, %dma_start3A_107] : memref<4x128xi32, #tpu.memory_space<vmem>> -> memref<1x128xi32, #tpu.memory_space<vmem>>
      %dma_start3A_109 = tpu.memref_squeeze %dma_start3A_108 : memref<1x128xi32, #tpu.memory_space<vmem>> -> memref<128xi32, #tpu.memory_space<vmem>>
      %dma_start3A_110 = tpu.memref_slice %arg3[%dma_start3A_100, %mul3A_99] : memref<2x320000xi32, #tpu.memory_space<hbm>> -> memref<1x128xi32, #tpu.memory_space<hbm>>
      %dma_start3A_111 = tpu.memref_squeeze %dma_start3A_110 : memref<1x128xi32, #tpu.memory_space<hbm>> -> memref<128xi32, #tpu.memory_space<hbm>>
      tpu.enqueue_dma source(%dma_start3A_111 : memref<128xi32, #tpu.memory_space<hbm>>) target(%dma_start3A_109 : memref<128xi32, #tpu.memory_space<vmem>>) target_semaphore(%arg8 : memref<!tpu.dma_semaphore, #tpu.memory_space<semaphore_mem>>)
      %mul3A_112 = arith.constant 128 : i32
      %mul3A_113 = arith.muli %add3A_97, %mul3A_112 : i32
      %dma_start3A_114 = arith.constant 0 : i32
      %dma_start3A_115 = arith.constant 1 : i32
      %dma_start3A_116 = arith.constant 0 : i32
      %dma_start3A_117 = tpu.memref_slice %arg6[%dma_start3A_115, %dma_start3A_116] : memref<4x128xi32, #tpu.memory_space<vmem>> -> memref<1x128xi32, #tpu.memory_space<vmem>>
      %dma_start3A_118 = tpu.memref_squeeze %dma_start3A_117 : memref<1x128xi32, #tpu.memory_space<vmem>> -> memref<128xi32, #tpu.memory_space<vmem>>
      %dma_start3A_119 = tpu.memref_slice %arg3[%dma_start3A_114, %mul3A_113] : memref<2x320000xi32, #tpu.memory_space<hbm>> -> memref<1x128xi32, #tpu.memory_space<hbm>>
      %dma_start3A_120 = tpu.memref_squeeze %dma_start3A_119 : memref<1x128xi32, #tpu.memory_space<hbm>> -> memref<128xi32, #tpu.memory_space<hbm>>
      %dma_start3A_121 = arith.constant 0 : i32
      %dma_start3A_122 = tpu.memref_slice %arg6[%dma_start3A_115, %dma_start3A_121] : memref<4x128xi32, #tpu.memory_space<vmem>> -> memref<1x128xi32, #tpu.memory_space<vmem>>
      %dma_start3A_123 = tpu.memref_squeeze %dma_start3A_122 : memref<1x128xi32, #tpu.memory_space<vmem>> -> memref<128xi32, #tpu.memory_space<vmem>>
      %dma_start3A_124 = tpu.memref_slice %arg3[%dma_start3A_114, %mul3A_113] : memref<2x320000xi32, #tpu.memory_space<hbm>> -> memref<1x128xi32, #tpu.memory_space<hbm>>
      %dma_start3A_125 = tpu.memref_squeeze %dma_start3A_124 : memref<1x128xi32, #tpu.memory_space<hbm>> -> memref<128xi32, #tpu.memory_space<hbm>>
      tpu.enqueue_dma source(%dma_start3A_125 : memref<128xi32, #tpu.memory_space<hbm>>) target(%dma_start3A_123 : memref<128xi32, #tpu.memory_space<vmem>>) target_semaphore(%arg8 : memref<!tpu.dma_semaphore, #tpu.memory_space<semaphore_mem>>)
    } else {
    }
    %barrier3A = arith.constant 0 : index
    tpu.barrier barrier_id(%barrier3A)
    %scan3A_60 = arith.constant 0 : i32
    %scan3A_61 = arith.constant 0 : i32
    %scan3A_62 = arith.constant 79 : i32
    %scan3A_63 = arith.addi %scan3A_61, %scan3A_62 : i32
    %scan3A_64 = arith.constant 1 : i32
    scf.for %scan3A_96 = %scan3A_61 to %scan3A_63 step %scan3A_64  : i32 {
      %rem3A = arith.constant 3 : i32
      %rem3A_97 = arith.remsi %scan3A_96, %rem3A : i32
      %add3A_98 = arith.constant 1 : i32
      %add3A_99 = arith.addi %scan3A_96, %add3A_98 : i32
      %rem3A_100 = arith.constant 3 : i32
      %rem3A_101 = arith.remsi %add3A_99, %rem3A_100 : i32
      %rem3A_102 = arith.constant 4 : i32
      %rem3A_103 = arith.remsi %scan3A_96, %rem3A_102 : i32
      %add3A_104 = arith.constant 1 : i32
      %add3A_105 = arith.addi %scan3A_96, %add3A_104 : i32
      %lt3A_106 = arith.cmpi slt, %add3A_105, %add3A_4 : i32
      %convert_element_type3A_107 = arith.extui %lt3A_106 : i1 to i32
      %cond3A_108 = arith.constant 0 : i32
      %cond3A_109 = arith.cmpi ne, %convert_element_type3A_107, %cond3A_108 : i32
      scf.if %cond3A_109 {
        %dma_wait3A_136 = arith.constant 1 : i32
        %dma_wait3A_137 = arith.constant 0 : i32
        %dma_wait3A_138 = arith.constant 0 : i32
        %dma_wait3A_139 = tpu.memref_slice %arg10[%dma_wait3A_137, %dma_wait3A_138] : memref<4x128xi32, #tpu.memory_space<vmem>> -> memref<1x128xi32, #tpu.memory_space<vmem>>
        %dma_wait3A_140 = tpu.memref_squeeze %dma_wait3A_139 : memref<1x128xi32, #tpu.memory_space<vmem>> -> memref<128xi32, #tpu.memory_space<vmem>>
        %dma_wait3A_141 = arith.constant 0 : i32
        %dma_wait3A_142 = tpu.memref_slice %arg3[%dma_wait3A_136, %dma_wait3A_141] : memref<2x320000xi32, #tpu.memory_space<hbm>> -> memref<1x128xi32, #tpu.memory_space<hbm>>
        %dma_wait3A_143 = tpu.memref_squeeze %dma_wait3A_142 : memref<1x128xi32, #tpu.memory_space<hbm>> -> memref<128xi32, #tpu.memory_space<hbm>>
        %dma_wait3A_144 = arith.constant 0 : i32
        %dma_wait3A_145 = tpu.memref_slice %arg10[%dma_wait3A_137, %dma_wait3A_144] : memref<4x128xi32, #tpu.memory_space<vmem>> -> memref<1x128xi32, #tpu.memory_space<vmem>>
        %dma_wait3A_146 = tpu.memref_squeeze %dma_wait3A_145 : memref<1x128xi32, #tpu.memory_space<vmem>> -> memref<128xi32, #tpu.memory_space<vmem>>
        %dma_wait3A_147 = arith.constant 0 : i32
        %dma_wait3A_148 = tpu.memref_slice %arg3[%dma_wait3A_136, %dma_wait3A_147] : memref<2x320000xi32, #tpu.memory_space<hbm>> -> memref<1x128xi32, #tpu.memory_space<hbm>>
        %dma_wait3A_149 = tpu.memref_squeeze %dma_wait3A_148 : memref<1x128xi32, #tpu.memory_space<hbm>> -> memref<128xi32, #tpu.memory_space<hbm>>
        tpu.wait_dma2 semaphore(%arg8 : memref<!tpu.dma_semaphore, #tpu.memory_space<semaphore_mem>>) src(%dma_wait3A_149 : memref<128xi32, #tpu.memory_space<hbm>>) dst(%dma_wait3A_146 : memref<128xi32, #tpu.memory_space<vmem>>)
        %dma_wait3A_150 = arith.constant 0 : i32
        %dma_wait3A_151 = arith.constant 0 : i32
        %dma_wait3A_152 = arith.constant 0 : i32
        %dma_wait3A_153 = tpu.memref_slice %arg6[%dma_wait3A_151, %dma_wait3A_152] : memref<4x128xi32, #tpu.memory_space<vmem>> -> memref<1x128xi32, #tpu.memory_space<vmem>>
        %dma_wait3A_154 = tpu.memref_squeeze %dma_wait3A_153 : memref<1x128xi32, #tpu.memory_space<vmem>> -> memref<128xi32, #tpu.memory_space<vmem>>
        %dma_wait3A_155 = arith.constant 0 : i32
        %dma_wait3A_156 = tpu.memref_slice %arg3[%dma_wait3A_150, %dma_wait3A_155] : memref<2x320000xi32, #tpu.memory_space<hbm>> -> memref<1x128xi32, #tpu.memory_space<hbm>>
        %dma_wait3A_157 = tpu.memref_squeeze %dma_wait3A_156 : memref<1x128xi32, #tpu.memory_space<hbm>> -> memref<128xi32, #tpu.memory_space<hbm>>
        %dma_wait3A_158 = arith.constant 0 : i32
        %dma_wait3A_159 = tpu.memref_slice %arg6[%dma_wait3A_151, %dma_wait3A_158] : memref<4x128xi32, #tpu.memory_space<vmem>> -> memref<1x128xi32, #tpu.memory_space<vmem>>
        %dma_wait3A_160 = tpu.memref_squeeze %dma_wait3A_159 : memref<1x128xi32, #tpu.memory_space<vmem>> -> memref<128xi32, #tpu.memory_space<vmem>>
        %dma_wait3A_161 = arith.constant 0 : i32
        %dma_wait3A_162 = tpu.memref_slice %arg3[%dma_wait3A_150, %dma_wait3A_161] : memref<2x320000xi32, #tpu.memory_space<hbm>> -> memref<1x128xi32, #tpu.memory_space<hbm>>
        %dma_wait3A_163 = tpu.memref_squeeze %dma_wait3A_162 : memref<1x128xi32, #tpu.memory_space<hbm>> -> memref<128xi32, #tpu.memory_space<hbm>>
        tpu.wait_dma2 semaphore(%arg8 : memref<!tpu.dma_semaphore, #tpu.memory_space<semaphore_mem>>) src(%dma_wait3A_163 : memref<128xi32, #tpu.memory_space<hbm>>) dst(%dma_wait3A_160 : memref<128xi32, #tpu.memory_space<vmem>>)
      } else {
      }
      %ge3A = arith.constant 2 : i32
      %ge3A_110 = arith.cmpi sge, %scan3A_96, %ge3A : i32
      %sub3A = arith.constant 2 : i32
      %sub3A_111 = arith.subi %scan3A_96, %sub3A : i32
      %lt3A_112 = arith.cmpi slt, %sub3A_111, %add3A_4 : i32
      %and3A = arith.andi %ge3A_110, %lt3A_112 : i1
      %convert_element_type3A_113 = arith.extui %and3A : i1 to i32
      %cond3A_114 = arith.constant 0 : i32
      %cond3A_115 = arith.cmpi ne, %convert_element_type3A_113, %cond3A_114 : i32
      scf.if %cond3A_115 {
        %dma_wait3A_136 = arith.constant 0 : i32
        %dma_wait3A_137 = arith.constant 0 : i32
        %dma_wait3A_138 = arith.constant 0 : i32
        %dma_wait3A_139 = tpu.memref_slice %arg9[%dma_wait3A_136, %dma_wait3A_137, %dma_wait3A_138] : memref<3x128x128xf32, #tpu.memory_space<vmem>> -> memref<1x128x128xf32, #tpu.memory_space<vmem>>
        %dma_wait3A_140 = tpu.memref_squeeze %dma_wait3A_139 : memref<1x128x128xf32, #tpu.memory_space<vmem>> -> memref<128x128xf32, #tpu.memory_space<vmem>>
        %dma_wait3A_141 = arith.constant 0 : i32
        %dma_wait3A_142 = arith.constant 0 : i32
        %dma_wait3A_143 = tpu.memref_slice %arg5[%dma_wait3A_141, %dma_wait3A_142] : memref<10000x128xf32, #tpu.memory_space<vmem_shared>> -> memref<128x128xf32, #tpu.memory_space<vmem_shared>>
        %dma_wait3A_144 = arith.constant 0 : i32
        %dma_wait3A_145 = arith.constant 0 : i32
        %dma_wait3A_146 = tpu.memref_slice %arg5[%dma_wait3A_144, %dma_wait3A_145] : memref<10000x128xf32, #tpu.memory_space<vmem_shared>> -> memref<128x128xf32, #tpu.memory_space<vmem_shared>>
        %dma_wait3A_147 = arith.constant 0 : i32
        %dma_wait3A_148 = arith.constant 0 : i32
        %dma_wait3A_149 = tpu.memref_slice %arg9[%dma_wait3A_136, %dma_wait3A_147, %dma_wait3A_148] : memref<3x128x128xf32, #tpu.memory_space<vmem>> -> memref<1x128x128xf32, #tpu.memory_space<vmem>>
        %dma_wait3A_150 = tpu.memref_squeeze %dma_wait3A_149 : memref<1x128x128xf32, #tpu.memory_space<vmem>> -> memref<128x128xf32, #tpu.memory_space<vmem>>
        tpu.wait_dma2 semaphore(%arg11 : memref<!tpu.dma_semaphore, #tpu.memory_space<semaphore_mem>>) src(%dma_wait3A_150 : memref<128x128xf32, #tpu.memory_space<vmem>>) dst(%dma_wait3A_146 : memref<128x128xf32, #tpu.memory_space<vmem_shared>>)
      } else {
      }
      %add3A_116 = arith.constant 1 : i32
      %add3A_117 = arith.addi %scan3A_96, %add3A_116 : i32
      %lt3A_118 = arith.cmpi slt, %add3A_117, %add3A_4 : i32
      %convert_element_type3A_119 = arith.extui %lt3A_118 : i1 to i32
      %cond3A_120 = arith.constant 0 : i32
      %cond3A_121 = arith.cmpi ne, %convert_element_type3A_119, %cond3A_120 : i32
      scf.if %cond3A_121 {
        %add3A_136 = arith.constant 1 : i32
        %add3A_137 = arith.addi %scan3A_96, %add3A_136 : i32
        %rem3A_138 = arith.constant 4 : i32
        %rem3A_139 = arith.remsi %add3A_137, %rem3A_138 : i32
        %dma_start3A_140 = arith.constant 0 : i32
        %dma_start3A_141 = arith.constant 0 : i32
        %dma_start3A_142 = tpu.memref_slice %arg9[%rem3A_101, %dma_start3A_140, %dma_start3A_141] : memref<3x128x128xf32, #tpu.memory_space<vmem>> -> memref<1x128x128xf32, #tpu.memory_space<vmem>>
        %dma_start3A_143 = tpu.memref_squeeze %dma_start3A_142 : memref<1x128x128xf32, #tpu.memory_space<vmem>> -> memref<128x128xf32, #tpu.memory_space<vmem>>
        %dma_start3A_144 = arith.constant 0 : i32
        %dma_start3A_145 = tpu.memref_slice %arg10[%rem3A_139, %dma_start3A_144] : memref<4x128xi32, #tpu.memory_space<vmem>> -> memref<1x128xi32, #tpu.memory_space<vmem>>
        %dma_start3A_146 = tpu.memref_squeeze %dma_start3A_145 : memref<1x128xi32, #tpu.memory_space<vmem>> -> memref<128xi32, #tpu.memory_space<vmem>>
        %dma_start3A_147 = arith.constant 0 : i32
        %dma_start3A_148 = arith.constant 0 : i32
        %dma_start3A_149 = tpu.memref_slice %arg2[%dma_start3A_147, %dma_start3A_148] : memref<10000x128xf32, #tpu.memory_space<hbm>> -> memref<10000x128xf32, #tpu.memory_space<hbm>>
        tpu.enqueue_indirect_dma source(%dma_start3A_149 : memref<10000x128xf32, #tpu.memory_space<hbm>>) target(%dma_start3A_143 : memref<128x128xf32, #tpu.memory_space<vmem>>) offsets(%dma_start3A_146 : memref<128xi32, #tpu.memory_space<vmem>>) semaphore(%arg7 : memref<!tpu.dma_semaphore, #tpu.memory_space<semaphore_mem>>)
      } else {
      }
      %add3A_122 = arith.constant 2 : i32
      %add3A_123 = arith.addi %scan3A_96, %add3A_122 : i32
      %lt3A_124 = arith.cmpi slt, %add3A_123, %add3A_4 : i32
      %convert_element_type3A_125 = arith.extui %lt3A_124 : i1 to i32
      %cond3A_126 = arith.constant 0 : i32
      %cond3A_127 = arith.cmpi ne, %convert_element_type3A_125, %cond3A_126 : i32
      scf.if %cond3A_127 {
        %add3A_136 = arith.constant 2 : i32
        %add3A_137 = arith.addi %scan3A_96, %add3A_136 : i32
        %rem3A_138 = arith.constant 4 : i32
        %rem3A_139 = arith.remsi %add3A_137, %rem3A_138 : i32
        %add3A_140 = arith.constant 2 : i32
        %add3A_141 = arith.addi %scan3A_96, %add3A_140 : i32
        %mul3A_142 = arith.constant 32 : i32
        %mul3A_143 = arith.muli %add3A_141, %mul3A_142 : i32
        %add3A_144 = arith.addi %mul3A_143, %add3A : i32
        %mul3A_145 = arith.constant 128 : i32
        %mul3A_146 = arith.muli %add3A_144, %mul3A_145 : i32
        %dma_start3A_147 = arith.constant 1 : i32
        %dma_start3A_148 = arith.constant 0 : i32
        %dma_start3A_149 = tpu.memref_slice %arg10[%rem3A_139, %dma_start3A_148] : memref<4x128xi32, #tpu.memory_space<vmem>> -> memref<1x128xi32, #tpu.memory_space<vmem>>
        %dma_start3A_150 = tpu.memref_squeeze %dma_start3A_149 : memref<1x128xi32, #tpu.memory_space<vmem>> -> memref<128xi32, #tpu.memory_space<vmem>>
        %dma_start3A_151 = tpu.memref_slice %arg3[%dma_start3A_147, %mul3A_146] : memref<2x320000xi32, #tpu.memory_space<hbm>> -> memref<1x128xi32, #tpu.memory_space<hbm>>
        %dma_start3A_152 = tpu.memref_squeeze %dma_start3A_151 : memref<1x128xi32, #tpu.memory_space<hbm>> -> memref<128xi32, #tpu.memory_space<hbm>>
        %dma_start3A_153 = arith.constant 0 : i32
        %dma_start3A_154 = tpu.memref_slice %arg10[%rem3A_139, %dma_start3A_153] : memref<4x128xi32, #tpu.memory_space<vmem>> -> memref<1x128xi32, #tpu.memory_space<vmem>>
        %dma_start3A_155 = tpu.memref_squeeze %dma_start3A_154 : memref<1x128xi32, #tpu.memory_space<vmem>> -> memref<128xi32, #tpu.memory_space<vmem>>
        %dma_start3A_156 = tpu.memref_slice %arg3[%dma_start3A_147, %mul3A_146] : memref<2x320000xi32, #tpu.memory_space<hbm>> -> memref<1x128xi32, #tpu.memory_space<hbm>>
        %dma_start3A_157 = tpu.memref_squeeze %dma_start3A_156 : memref<1x128xi32, #tpu.memory_space<hbm>> -> memref<128xi32, #tpu.memory_space<hbm>>
        tpu.enqueue_dma source(%dma_start3A_157 : memref<128xi32, #tpu.memory_space<hbm>>) target(%dma_start3A_155 : memref<128xi32, #tpu.memory_space<vmem>>) target_semaphore(%arg8 : memref<!tpu.dma_semaphore, #tpu.memory_space<semaphore_mem>>)
        %mul3A_158 = arith.constant 128 : i32
        %mul3A_159 = arith.muli %add3A_144, %mul3A_158 : i32
        %dma_start3A_160 = arith.constant 0 : i32
        %dma_start3A_161 = arith.constant 0 : i32
        %dma_start3A_162 = tpu.memref_slice %arg6[%rem3A_139, %dma_start3A_161] : memref<4x128xi32, #tpu.memory_space<vmem>> -> memref<1x128xi32, #tpu.memory_space<vmem>>
        %dma_start3A_163 = tpu.memref_squeeze %dma_start3A_162 : memref<1x128xi32, #tpu.memory_space<vmem>> -> memref<128xi32, #tpu.memory_space<vmem>>
        %dma_start3A_164 = tpu.memref_slice %arg3[%dma_start3A_160, %mul3A_159] : memref<2x320000xi32, #tpu.memory_space<hbm>> -> memref<1x128xi32, #tpu.memory_space<hbm>>
        %dma_start3A_165 = tpu.memref_squeeze %dma_start3A_164 : memref<1x128xi32, #tpu.memory_space<hbm>> -> memref<128xi32, #tpu.memory_space<hbm>>
        %dma_start3A_166 = arith.constant 0 : i32
        %dma_start3A_167 = tpu.memref_slice %arg6[%rem3A_139, %dma_start3A_166] : memref<4x128xi32, #tpu.memory_space<vmem>> -> memref<1x128xi32, #tpu.memory_space<vmem>>
        %dma_start3A_168 = tpu.memref_squeeze %dma_start3A_167 : memref<1x128xi32, #tpu.memory_space<vmem>> -> memref<128xi32, #tpu.memory_space<vmem>>
        %dma_start3A_169 = tpu.memref_slice %arg3[%dma_start3A_160, %mul3A_159] : memref<2x320000xi32, #tpu.memory_space<hbm>> -> memref<1x128xi32, #tpu.memory_space<hbm>>
        %dma_start3A_170 = tpu.memref_squeeze %dma_start3A_169 : memref<1x128xi32, #tpu.memory_space<hbm>> -> memref<128xi32, #tpu.memory_space<hbm>>
        tpu.enqueue_dma source(%dma_start3A_170 : memref<128xi32, #tpu.memory_space<hbm>>) target(%dma_start3A_168 : memref<128xi32, #tpu.memory_space<vmem>>) target_semaphore(%arg8 : memref<!tpu.dma_semaphore, #tpu.memory_space<semaphore_mem>>)
      } else {
      }
      %lt3A_128 = arith.cmpi slt, %scan3A_96, %add3A_4 : i32
      %convert_element_type3A_129 = arith.extui %lt3A_128 : i1 to i32
      %cond3A_130 = arith.constant 0 : i32
      %cond3A_131 = arith.cmpi ne, %convert_element_type3A_129, %cond3A_130 : i32
      scf.if %cond3A_131 {
        %dma_wait3A_136 = arith.constant 0 : i32
        %dma_wait3A_137 = arith.constant 0 : i32
        %dma_wait3A_138 = tpu.memref_slice %arg9[%rem3A_97, %dma_wait3A_136, %dma_wait3A_137] : memref<3x128x128xf32, #tpu.memory_space<vmem>> -> memref<1x128x128xf32, #tpu.memory_space<vmem>>
        %dma_wait3A_139 = tpu.memref_squeeze %dma_wait3A_138 : memref<1x128x128xf32, #tpu.memory_space<vmem>> -> memref<128x128xf32, #tpu.memory_space<vmem>>
        %dma_wait3A_140 = arith.constant 0 : i32
        %dma_wait3A_141 = tpu.memref_slice %arg10[%rem3A_103, %dma_wait3A_140] : memref<4x128xi32, #tpu.memory_space<vmem>> -> memref<1x128xi32, #tpu.memory_space<vmem>>
        %dma_wait3A_142 = tpu.memref_squeeze %dma_wait3A_141 : memref<1x128xi32, #tpu.memory_space<vmem>> -> memref<128xi32, #tpu.memory_space<vmem>>
        %dma_wait3A_143 = arith.constant 0 : i32
        %dma_wait3A_144 = arith.constant 0 : i32
        %dma_wait3A_145 = tpu.memref_slice %arg2[%dma_wait3A_143, %dma_wait3A_144] : memref<10000x128xf32, #tpu.memory_space<hbm>> -> memref<10000x128xf32, #tpu.memory_space<hbm>>
        tpu.wait_indirect_dma semaphore(%arg7 : memref<!tpu.dma_semaphore, #tpu.memory_space<semaphore_mem>>) src(%dma_wait3A_145 : memref<10000x128xf32, #tpu.memory_space<hbm>>) dst(%dma_wait3A_139 : memref<128x128xf32, #tpu.memory_space<vmem>>)
      } else {
      }
      %lt3A_132 = arith.cmpi slt, %scan3A_96, %add3A_4 : i32
      %convert_element_type3A_133 = arith.extui %lt3A_132 : i1 to i32
      %cond3A_134 = arith.constant 0 : i32
      %cond3A_135 = arith.cmpi ne, %convert_element_type3A_133, %cond3A_134 : i32
      scf.if %cond3A_135 {
        %dma_start3A_136 = arith.constant 0 : i32
        %dma_start3A_137 = arith.constant 0 : i32
        %dma_start3A_138 = tpu.memref_slice %arg9[%rem3A_97, %dma_start3A_136, %dma_start3A_137] : memref<3x128x128xf32, #tpu.memory_space<vmem>> -> memref<1x128x128xf32, #tpu.memory_space<vmem>>
        %dma_start3A_139 = tpu.memref_squeeze %dma_start3A_138 : memref<1x128x128xf32, #tpu.memory_space<vmem>> -> memref<128x128xf32, #tpu.memory_space<vmem>>
        %dma_start3A_140 = arith.constant 0 : i32
        %dma_start3A_141 = tpu.memref_slice %arg6[%rem3A_103, %dma_start3A_140] : memref<4x128xi32, #tpu.memory_space<vmem>> -> memref<1x128xi32, #tpu.memory_space<vmem>>
        %dma_start3A_142 = tpu.memref_squeeze %dma_start3A_141 : memref<1x128xi32, #tpu.memory_space<vmem>> -> memref<128xi32, #tpu.memory_space<vmem>>
        %dma_start3A_143 = arith.constant 0 : i32
        %dma_start3A_144 = arith.constant 0 : i32
        %dma_start3A_145 = tpu.memref_slice %arg5[%dma_start3A_143, %dma_start3A_144] : memref<10000x128xf32, #tpu.memory_space<vmem_shared>> -> memref<10000x128xf32, #tpu.memory_space<vmem_shared>>
        tpu.enqueue_indirect_dma source(%dma_start3A_139 : memref<128x128xf32, #tpu.memory_space<vmem>>) target(%dma_start3A_145 : memref<10000x128xf32, #tpu.memory_space<vmem_shared>>) offsets(%dma_start3A_142 : memref<128xi32, #tpu.memory_space<vmem>>) semaphore(%arg11 : memref<!tpu.dma_semaphore, #tpu.memory_space<semaphore_mem>>) {add = true}
      } else {
      }
    }
    %scan3A_65 = arith.constant 79 : i32
    %dma_wait3A = arith.constant 0 : i32
    %dma_wait3A_66 = arith.constant 0 : i32
    %dma_wait3A_67 = arith.constant 0 : i32
    %dma_wait3A_68 = tpu.memref_slice %arg9[%dma_wait3A, %dma_wait3A_66, %dma_wait3A_67] : memref<3x128x128xf32, #tpu.memory_space<vmem>> -> memref<1x128x128xf32, #tpu.memory_space<vmem>>
    %dma_wait3A_69 = tpu.memref_squeeze %dma_wait3A_68 : memref<1x128x128xf32, #tpu.memory_space<vmem>> -> memref<128x128xf32, #tpu.memory_space<vmem>>
    %dma_wait3A_70 = arith.constant 0 : i32
    %dma_wait3A_71 = arith.constant 0 : i32
    %dma_wait3A_72 = tpu.memref_slice %arg5[%dma_wait3A_70, %dma_wait3A_71] : memref<10000x128xf32, #tpu.memory_space<vmem_shared>> -> memref<128x128xf32, #tpu.memory_space<vmem_shared>>
    %dma_wait3A_73 = arith.constant 0 : i32
    %dma_wait3A_74 = arith.constant 0 : i32
    %dma_wait3A_75 = tpu.memref_slice %arg5[%dma_wait3A_73, %dma_wait3A_74] : memref<10000x128xf32, #tpu.memory_space<vmem_shared>> -> memref<128x128xf32, #tpu.memory_space<vmem_shared>>
    %dma_wait3A_76 = arith.constant 0 : i32
    %dma_wait3A_77 = arith.constant 0 : i32
    %dma_wait3A_78 = tpu.memref_slice %arg9[%dma_wait3A, %dma_wait3A_76, %dma_wait3A_77] : memref<3x128x128xf32, #tpu.memory_space<vmem>> -> memref<1x128x128xf32, #tpu.memory_space<vmem>>
    %dma_wait3A_79 = tpu.memref_squeeze %dma_wait3A_78 : memref<1x128x128xf32, #tpu.memory_space<vmem>> -> memref<128x128xf32, #tpu.memory_space<vmem>>
    tpu.wait_dma2 semaphore(%arg11 : memref<!tpu.dma_semaphore, #tpu.memory_space<semaphore_mem>>) src(%dma_wait3A_79 : memref<128x128xf32, #tpu.memory_space<vmem>>) dst(%dma_wait3A_75 : memref<128x128xf32, #tpu.memory_space<vmem_shared>>)
    %lt3A_80 = arith.constant 4 : i32
    %lt3A_81 = arith.cmpi slt, %add3A, %lt3A_80 : i32
    %convert_element_type3A_82 = arith.extui %lt3A_81 : i1 to i32
    %cond3A_83 = arith.constant 0 : i32
    %cond3A_84 = arith.cmpi ne, %convert_element_type3A_82, %cond3A_83 : i32
    scf.if %cond3A_84 {
      %dma_wait3A_96 = arith.constant 0 : i32
      %dma_wait3A_97 = arith.constant 0 : i32
      %dma_wait3A_98 = arith.constant 0 : i32
      %dma_wait3A_99 = tpu.memref_slice %arg9[%dma_wait3A_96, %dma_wait3A_97, %dma_wait3A_98] : memref<3x128x128xf32, #tpu.memory_space<vmem>> -> memref<1x128x128xf32, #tpu.memory_space<vmem>>
      %dma_wait3A_100 = tpu.memref_squeeze %dma_wait3A_99 : memref<1x128x128xf32, #tpu.memory_space<vmem>> -> memref<128x128xf32, #tpu.memory_space<vmem>>
      %dma_wait3A_101 = arith.constant 0 : i32
      %dma_wait3A_102 = arith.constant 0 : i32
      %dma_wait3A_103 = tpu.memref_slice %arg5[%dma_wait3A_101, %dma_wait3A_102] : memref<10000x128xf32, #tpu.memory_space<vmem_shared>> -> memref<128x128xf32, #tpu.memory_space<vmem_shared>>
      %dma_wait3A_104 = arith.constant 0 : i32
      %dma_wait3A_105 = arith.constant 0 : i32
      %dma_wait3A_106 = tpu.memref_slice %arg5[%dma_wait3A_104, %dma_wait3A_105] : memref<10000x128xf32, #tpu.memory_space<vmem_shared>> -> memref<128x128xf32, #tpu.memory_space<vmem_shared>>
      %dma_wait3A_107 = arith.constant 0 : i32
      %dma_wait3A_108 = arith.constant 0 : i32
      %dma_wait3A_109 = tpu.memref_slice %arg9[%dma_wait3A_96, %dma_wait3A_107, %dma_wait3A_108] : memref<3x128x128xf32, #tpu.memory_space<vmem>> -> memref<1x128x128xf32, #tpu.memory_space<vmem>>
      %dma_wait3A_110 = tpu.memref_squeeze %dma_wait3A_109 : memref<1x128x128xf32, #tpu.memory_space<vmem>> -> memref<128x128xf32, #tpu.memory_space<vmem>>
      tpu.wait_dma2 semaphore(%arg11 : memref<!tpu.dma_semaphore, #tpu.memory_space<semaphore_mem>>) src(%dma_wait3A_110 : memref<128x128xf32, #tpu.memory_space<vmem>>) dst(%dma_wait3A_106 : memref<128x128xf32, #tpu.memory_space<vmem_shared>>)
    } else {
    }
    %barrier3A_85 = arith.constant 0 : index
    tpu.barrier barrier_id(%barrier3A_85)
    %lt3A_86 = arith.constant 15 : i32
    %lt3A_87 = arith.cmpi slt, %arg1, %lt3A_86 : i32
    %convert_element_type3A_88 = arith.extui %lt3A_87 : i1 to i32
    %cond3A_89 = arith.constant 0 : i32
    %cond3A_90 = arith.cmpi ne, %convert_element_type3A_88, %cond3A_89 : i32
    scf.if %cond3A_90 {
      %mul3A_96 = arith.constant 632 : i32
      %mul3A_97 = arith.muli %arg1, %mul3A_96 : i32
      %mul3A_98 = arith.constant 10000 : i32
      %mul3A_99 = arith.muli %arg0, %mul3A_98 : i32
      %mul3A_100 = arith.constant 632 : i32
      %mul3A_101 = arith.muli %arg1, %mul3A_100 : i32
      %add3A_102 = arith.addi %mul3A_99, %mul3A_101 : i32
      "tpu.region"() ({
        %run_scoped3A_103 = tpu.sem_alloc : memref<!tpu.dma_semaphore, #tpu.memory_space<semaphore_mem>>
        %dma_start3A_104 = arith.constant 0 : i32
        %dma_start3A_105 = tpu.memref_slice %arg4[%add3A_102, %dma_start3A_104] : memref<20000x128xf32, #tpu.memory_space<hbm>> -> memref<632x128xf32, #tpu.memory_space<hbm>>
        %dma_start3A_106 = arith.constant 0 : i32
        %dma_start3A_107 = tpu.memref_slice %arg5[%mul3A_97, %dma_start3A_106] : memref<10000x128xf32, #tpu.memory_space<vmem_shared>> -> memref<632x128xf32, #tpu.memory_space<vmem_shared>>
        tpu.enqueue_dma source(%dma_start3A_107 : memref<632x128xf32, #tpu.memory_space<vmem_shared>>) target(%dma_start3A_105 : memref<632x128xf32, #tpu.memory_space<hbm>>) target_semaphore(%run_scoped3A_103 : memref<!tpu.dma_semaphore, #tpu.memory_space<semaphore_mem>>)
        %dma_wait3A_108 = arith.constant 0 : i32
        %dma_wait3A_109 = tpu.memref_slice %arg4[%add3A_102, %dma_wait3A_108] : memref<20000x128xf32, #tpu.memory_space<hbm>> -> memref<632x128xf32, #tpu.memory_space<hbm>>
        %dma_wait3A_110 = arith.constant 0 : i32
        %dma_wait3A_111 = tpu.memref_slice %arg5[%mul3A_97, %dma_wait3A_110] : memref<10000x128xf32, #tpu.memory_space<vmem_shared>> -> memref<632x128xf32, #tpu.memory_space<vmem_shared>>
        tpu.wait_dma2 semaphore(%run_scoped3A_103 : memref<!tpu.dma_semaphore, #tpu.memory_space<semaphore_mem>>) src(%dma_wait3A_111 : memref<632x128xf32, #tpu.memory_space<vmem_shared>>) dst(%dma_wait3A_109 : memref<632x128xf32, #tpu.memory_space<hbm>>)
        tpu.yield
      }) : () -> ()
    } else {
    }
    %eq3A_91 = arith.constant 15 : i32
    %eq3A_92 = arith.cmpi eq, %arg1, %eq3A_91 : i32
    %convert_element_type3A_93 = arith.extui %eq3A_92 : i1 to i32
    %cond3A_94 = arith.constant 0 : i32
    %cond3A_95 = arith.cmpi ne, %convert_element_type3A_93, %cond3A_94 : i32
    scf.if %cond3A_95 {
      %mul3A_96 = arith.constant 632 : i32
      %mul3A_97 = arith.muli %arg1, %mul3A_96 : i32
      %mul3A_98 = arith.constant 10000 : i32
      %mul3A_99 = arith.muli %arg0, %mul3A_98 : i32
      %mul3A_100 = arith.constant 632 : i32
      %mul3A_101 = arith.muli %arg1, %mul3A_100 : i32
      %add3A_102 = arith.addi %mul3A_99, %mul3A_101 : i32
      "tpu.region"() ({
        %run_scoped3A_103 = tpu.sem_alloc : memref<!tpu.dma_semaphore, #tpu.memory_space<semaphore_mem>>
        %dma_start3A_104 = arith.constant 0 : i32
        %dma_start3A_105 = tpu.memref_slice %arg4[%add3A_102, %dma_start3A_104] : memref<20000x128xf32, #tpu.memory_space<hbm>> -> memref<520x128xf32, #tpu.memory_space<hbm>>
        %dma_start3A_106 = arith.constant 0 : i32
        %dma_start3A_107 = tpu.memref_slice %arg5[%mul3A_97, %dma_start3A_106] : memref<10000x128xf32, #tpu.memory_space<vmem_shared>> -> memref<520x128xf32, #tpu.memory_space<vmem_shared>>
        tpu.enqueue_dma source(%dma_start3A_107 : memref<520x128xf32, #tpu.memory_space<vmem_shared>>) target(%dma_start3A_105 : memref<520x128xf32, #tpu.memory_space<hbm>>) target_semaphore(%run_scoped3A_103 : memref<!tpu.dma_semaphore, #tpu.memory_space<semaphore_mem>>)
        %dma_wait3A_108 = arith.constant 0 : i32
        %dma_wait3A_109 = tpu.memref_slice %arg4[%add3A_102, %dma_wait3A_108] : memref<20000x128xf32, #tpu.memory_space<hbm>> -> memref<520x128xf32, #tpu.memory_space<hbm>>
        %dma_wait3A_110 = arith.constant 0 : i32
        %dma_wait3A_111 = tpu.memref_slice %arg5[%mul3A_97, %dma_wait3A_110] : memref<10000x128xf32, #tpu.memory_space<vmem_shared>> -> memref<520x128xf32, #tpu.memory_space<vmem_shared>>
        tpu.wait_dma2 semaphore(%run_scoped3A_103 : memref<!tpu.dma_semaphore, #tpu.memory_space<semaphore_mem>>) src(%dma_wait3A_111 : memref<520x128xf32, #tpu.memory_space<vmem_shared>>) dst(%dma_wait3A_109 : memref<520x128xf32, #tpu.memory_space<hbm>>)
        tpu.yield
      }) : () -> ()
    } else {
    }
    return
  }
}

module attributes {stable_mosaic.version = 14 : i64} {
  func.func @body(%arg0: i32, %arg1: memref<2x10000x128xf32, #tpu.memory_space<vmem>>, %arg2: memref<128x128xf32, #tpu.memory_space<vmem>>, %arg3: memref<10000x128xf32, #tpu.memory_space<vmem>>) attributes {dimension_semantics = [#tpu.dimension_semantics<arbitrary>], iteration_bounds = array<i64: 1>, scalar_prefetch = 0 : i64, scratch_operands = 0 : i64, tpu.core_type = #tpu.core_type<tc>, window_params = [{transform_indices = @transform_0, window_bounds = array<i64: 2, 10000, 128>}, {pipeline_mode = #tpu.pipeline_mode<synchronous>, transform_indices = @transform_1, window_bounds = array<i64: 128, 128>}, {transform_indices = @transform_2, window_bounds = array<i64: 10000, 128>}]} {
    %get3A = arith.constant 0 : index
    %get3A_0 = arith.constant 0 : index
    %get3A_1 = arith.constant 0 : index
    %get3A_2 = vector.load %arg1[%get3A, %get3A_0, %get3A_1] : memref<2x10000x128xf32, #tpu.memory_space<vmem>>, vector<1x10000x128xf32>
    %get3A_3 = vector.shape_cast %get3A_2 : vector<1x10000x128xf32> to vector<10000x128xf32>
    %get3A_4 = arith.constant 1 : index
    %get3A_5 = arith.constant 0 : index
    %get3A_6 = arith.constant 0 : index
    %get3A_7 = vector.load %arg1[%get3A_4, %get3A_5, %get3A_6] : memref<2x10000x128xf32, #tpu.memory_space<vmem>>, vector<1x10000x128xf32>
    %get3A_8 = vector.shape_cast %get3A_7 : vector<1x10000x128xf32> to vector<10000x128xf32>
    %add3A = arith.addf %get3A_3, %get3A_8 : vector<10000x128xf32>
    %get3A_9 = arith.constant 0 : index
    %get3A_10 = arith.constant 0 : index
    %get3A_11 = vector.load %arg2[%get3A_9, %get3A_10] : memref<128x128xf32, #tpu.memory_space<vmem>>, vector<128x128xf32>
    %dot_general3A = arith.constant dense<0.000000e+00> : vector<10000x128xf32>
    %dot_general3A_12 = tpu.matmul %add3A, %get3A_11, %dot_general3A {dimension_numbers = #tpu.dot_dimension_numbers<[1], [1], [0], [0], [0, 0, 1, 0], [], []>, transpose_lhs_hint = false} : vector<10000x128xf32>, vector<128x128xf32>, vector<10000x128xf32> -> vector<10000x128xf32>
    %swap3A = arith.constant 0 : index
    %swap3A_13 = arith.constant 0 : index
    %swap3A_14 = vector.load %arg3[%swap3A, %swap3A_13] : memref<10000x128xf32, #tpu.memory_space<vmem>>, vector<10000x128xf32>
    tpu.vector_store %arg3[%swap3A, %swap3A_13], %dot_general3A_12 {strides = array<i32>} : memref<10000x128xf32, #tpu.memory_space<vmem>>, vector<10000x128xf32>,
    return
  }
  func.func @transform_0(%arg0: i32) -> (i32, i32, i32) {
    %c0_i32 = arith.constant 0 : i32
    %c0_i32_0 = arith.constant 0 : i32
    %c0_i32_1 = arith.constant 0 : i32
    return %c0_i32, %arg0, %c0_i32_0 : i32, i32, i32
  }
  func.func @transform_1(%arg0: i32) -> (i32, i32) {
    %c0_i32 = arith.constant 0 : i32
    %c0_i32_0 = arith.constant 0 : i32
    %c0_i32_1 = arith.constant 0 : i32
    return %c0_i32, %c0_i32_0 : i32, i32
  }
  func.func @transform_2(%arg0: i32) -> (i32, i32) {
    %c0_i32 = arith.constant 0 : i32
    %c0_i32_0 = arith.constant 0 : i32
    return %arg0, %c0_i32 : i32, i32
  }
}

</mosaic_0001>

<sc_bundles>
// kernel: kernel.4.cloned.1.call-start
scs
__scs_entry_jumppad:
0x0: {  	(pc) =	sbr.rel $0x88, $3  }
0x1: {  	(tag) =	ssettag $0x0;
	lr =	simm.s32 $0x1  }
0x2: {  	[smem:$0x3F9E] =	sst lr;
	_ =	strace $0xD0000000  }
0x3: {  	_ = 	snop  }
0x4: {  	_ = 	snop  }
0x5: {  	_ = 	snop  }
0x6: {  	_ = 	snop  }
0x7: {  	_ = 	snop  }
__scs_overlays_trampoline_lowered:
0x8: {  	[smem:$0x3FAD] =	sst s0  }
0x9: {  	[smem:$0x3FAE] =	sst s1  }
0xa: {  	[smem:$0x3FAF] =	sst s2  }
0xb: {  	[smem:$0x3FB0] =	sst s3  }
0xc: {  	[smem:$0x3FB1] =	sst s4  }
0xd: {  	[smem:$0x3FB2] =	sst s5  }
0xe: {  	[smem:$0x3FB3] =	sst s6  }
0xf: {  	[smem:$0x3FB4] =	sst s7  }
0x10: {  	[smem:$0x3FB5] =	sst s8  }
0x11: {  	[smem:$0x3FB6] =	sst s9;
	s0 =	simm.s32 @!p0 $0x0  }
0x12: {  	s1 =	sld [smem:$0x3F9C];
	s0 =	simm.s32 @p0 $0x1  }
0x13: {  	[smem:$0x3FB7] =	sst s0;
	s0 =	simm.s32 @!p1 $0x0  }
0x14: {  	s2 =	sld [smem:$0x3F9B];
	s0 =	simm.s32 @p1 $0x1  }
0x15: {  	[smem:$0x3FB8] =	sst s0;
	s0 =	simm.s32 @!p2 $0x0  }
0x16: {  	s3 =	sld [smem:$0x3FDB];
	s0 =	simm.s32 @p2 $0x1  }
0x17: {  	s4 =	simm.s32 $0x1BF5;
	[smem:$0x3FBA] =	sst s0  }
0x18: {  	s0 =	sld [smem:$0x3F9D];
	_ =	swait.ge [sflag:s4], $0x0  }
0x19: {  	s7 =	sld [smem:$0x3F9E]  }
0x1a: {  	s8 =	sadd.s32 $0xFFFFE003, lr  }
0x1b: {  	s9 =	sadd.s32 $0xFFFFFEF7, lr;
	s5 =	simm.s32 $0xFFFFFFFF;
	p2 =	slt.u32 s8, $0xFFFFF086  }
0x1c: {  	p1 =	slt.u32 s9, $0xF7A;
	s5 =	simm.s32 @!p2 $0x0  }
0x1d: {  	s5 =	simm.s32 @p1 $0x1;
	p0 =	seq.s32 s7, s2  }
0x1e: {  	s7 =	smul.u32 @!p0 $0xF7A, s2;
	p2 =	seq.s32 @!p0 s5, $0x0  }
0x1f: {  	s9 =	smul.u32 $0xF7A, s1;
	s8 =	simm.s32 @!p0 $0x1BF5;
	p2 =	por !p2, p0  }
0x20: {  	[sflag:s8] =	ssyncset.s32 @!p0 $0xFFFFF086;
	s6 =	sadd.s32 @!p0 s3, s7;
	s7 =	simm.s32 @!p0 $0x108  }
0x21: {  	s3 =	sadd.s32 s3, s9;
	s6 =	sadd.s32 @!p0 $0x88, s6;
	s7 =	simm.s32 @p2 $0x1082  }
0x22: {  	[simem:s7], [sflag:s8] =	dma.local @!p0 [hbm:s6], $0xF7A  }
0x23: {  	s9 =	sor.u32 $0xD0000000, s2;
	s6 =	simm.s32 $0x108;
	_ =	swait.ge @!p0 [sflag:s8], $0x0  }
0x24: {  	s3 =	sadd.s32 $0x88, s3;
	s6 =	simm.s32 @!p1 $0x1082;
	[sflag:s4] =	ssyncset.s32 $0xFFFFF086  }
0x25: {  	[simem:s6], [sflag:s4] =	dma.local [hbm:s3], $0xF7A  }
0x26: {  	[smem:$0x3F9E] =	sst s1;
	(tag) =	ssettag s2;
	_ =	strace s9  }
0x27: {  	s1 =	sld [smem:$0x3FAE]  }
0x28: {  	s2 =	sld [smem:$0x3FAF]  }
0x29: {  	s4 =	sld [smem:$0x3FB1]  }
0x2a: {  	p0 =	seq.s32 s5, $0x0;
	s5 =	sld [smem:$0x3FB2]  }
0x2b: {  	s6 =	sld [smem:$0x3FB3]  }
0x2c: {  	s7 =	sld [smem:$0x3FB4]  }
0x2d: {  	s3 =	simm.s32 $0x108;
	s8 =	sld [smem:$0x3FB5]  }
0x2e: {  	s3 =	simm.s32 @!p0 $0x1082;
	s9 =	sld [smem:$0x3FB6]  }
0x2f: {  	lr =	sadd.s32 s0, s3;
	s0 =	sld [smem:$0x3FAD]  }
0x30: {  	s3 =	sld [smem:$0x3FB0]  }
0x31: {  	[smem:$0x3FB9] =	sst s10  }
0x32: {  	s10 =	sld [smem:$0x3FB7];
	_ =	sdelay $0x3  }
0x33: {  	p0 =	seq.s32 s10, $0x1;
	s10 =	sld [smem:$0x3FB9];
	_ =	sdelay $0x3  }
0x34: {  	[smem:$0x3FB9] =	sst s10  }
0x35: {  	s10 =	sld [smem:$0x3FB8];
	_ =	sdelay $0x3  }
0x36: {  	p1 =	seq.s32 s10, $0x1;
	s10 =	sld [smem:$0x3FB9];
	_ =	sdelay $0x3  }
0x37: {  	[smem:$0x3FB9] =	sst s10  }
0x38: {  	s10 =	sld [smem:$0x3FBA]  }
0x39: {  	_ = 	snop;
	(pc) =	sbr.ind lr, $3  }
0x3a: {  	_ = 	snop  }
0x3b: {  	_ = 	snop  }
0x3c: {  	p2 =	seq.s32 s10, $0x1;
	s10 =	sld [smem:$0x3FB9]  }
0x3d: {  	_ =	shalt  }
0x3e: {  	_ =	shalt  }
0x3f: {  	_ =	shalt  }
0x40: {  	_ =	shalt  }
0x41: {  	_ =	shalt  }
0x42: {  	_ =	shalt  }
0x43: {  	_ =	shalt  }
0x44: {  	_ =	shalt  }
0x45: {  	_ =	shalt  }
0x46: {  	_ =	shalt  }
0x47: {  	_ =	shalt  }
0x48: {  	_ =	shalt  }
0x49: {  	_ =	shalt  }
0x4a: {  	_ =	shalt  }
0x4b: {  	_ =	shalt  }
0x4c: {  	_ =	shalt  }
0x4d: {  	_ =	shalt  }
0x4e: {  	_ =	shalt  }
0x4f: {  	_ =	shalt  }
0x50: {  	_ =	shalt  }
0x51: {  	_ =	shalt  }
0x52: {  	_ =	shalt  }
0x53: {  	_ =	shalt  }
0x54: {  	_ =	shalt  }
0x55: {  	_ =	shalt  }
0x56: {  	_ =	shalt  }
0x57: {  	_ =	shalt  }
0x58: {  	_ =	shalt  }
0x59: {  	_ =	shalt  }
0x5a: {  	_ =	shalt  }
0x5b: {  	_ =	shalt  }
0x5c: {  	_ =	shalt  }
0x5d: {  	_ =	shalt  }
0x5e: {  	_ =	shalt  }
0x5f: {  	_ =	shalt  }
0x60: {  	_ =	shalt  }
0x61: {  	_ =	shalt  }
0x62: {  	_ =	shalt  }
0x63: {  	_ =	shalt  }
0x64: {  	_ =	shalt  }
0x65: {  	_ =	shalt  }
0x66: {  	_ =	shalt  }
0x67: {  	_ =	shalt  }
0x68: {  	_ =	shalt  }
0x69: {  	_ =	shalt  }
0x6a: {  	_ =	shalt  }
0x6b: {  	_ =	shalt  }
0x6c: {  	_ =	shalt  }
0x6d: {  	_ =	shalt  }
0x6e: {  	_ =	shalt  }
0x6f: {  	_ =	shalt  }
0x70: {  	_ =	shalt  }
0x71: {  	_ =	shalt  }
0x72: {  	_ =	shalt  }
0x73: {  	_ =	shalt  }
0x74: {  	_ =	shalt  }
0x75: {  	_ =	shalt  }
0x76: {  	_ =	shalt  }
0x77: {  	_ =	shalt  }
0x78: {  	_ =	shalt  }
0x79: {  	_ =	shalt  }
0x7a: {  	_ =	shalt  }
0x7b: {  	_ =	shalt  }
0x7c: {  	_ =	shalt  }
0x7d: {  	_ =	shalt  }
0x7e: {  	_ =	shalt  }
0x7f: {  	_ =	shalt  }
0x80: {  	_ =	shalt  }
0x81: {  	_ =	shalt  }
0x82: {  	_ =	shalt  }
0x83: {  	_ =	shalt  }
0x84: {  	_ =	shalt  }
0x85: {  	_ =	shalt  }
0x86: {  	_ =	shalt  }
0x87: {  	_ =	shalt  }
.Lfunc_end0:
.L_simem_size_0:
called_computation_lowered:
.L_overlay_start_0:
0x88: {  	s2 =	sld [smem:$0x3FD9]  }
0x89: {  	s3 =	sld [smem:$0x3FFE];
	_ =	sdelay $0x1  }
0x8a: {  	s1 =	srdreg.scid  }
0x8b: {  	s0 =	sand.u32 $0x1, s1  }
0x8c: {  	s17 =	sshll.u32 s0, $0xA;
	s2 =	sadd.s32 s3, s2  }
0x8d: {  	s2 =	sadd.s32 s2, s17  }
0x8e: {  	[smem:$0x3FC5] =	sst s2  }
0x8f: {  	_ = 	snop  }
0x90: {  	s2 =	sld [smem:$0x3FC9]  }
0x91: {  	s18 =	sld [smem:$0x3FC8];
	(tm) =	ssettm $0x1  }
0x92: {  	s4 =	sld [smem:$0x3FFB];
	_ =	sdelay $0x3  }
0x93: {  	_ =	strace s4  }
0x94: {  	s4 =	sld [smem:$0x3FFC];
	_ =	sdelay $0x3  }
0x95: {  	_ =	strace s4  }
0x96: {  	s4 =	sld [smem:$0x3FFD];
	_ =	sdelay $0x3  }
0x97: {  	_ =	strace s4  }
0x98: {  	_ =	strace $0x8FFFFFFF  }
0x99: {  	s19 =	sld [smem:$0x3FDB];
	_ =	sdelay $0x1  }
0x9a: {  	s5 =	simm.s32 $_scs_section_size  }
0x9b: {  	s6 =	simm.s32 $_size__tile_overlayer_lowered;
	s7 =	simm.s32 $_tile_overlayer_lowered  }
0x9c: {  	s22 =	simm.s32 $0x1BFF;
	s21 =	sshll.u32 s7, $0x1;
	s4 =	sadd.s32 s5, s19  }
0x9d: {  	s8 =	simm.s32 $0x0;
	s20 =	sshll.u32 s6, $0x1;
	s6 =	sadd.s32 s21, s4  }
0x9e: {  	[timem:s8], [sflag:s22] =	dma.local [hbm:s6], s20  }
0x9f: {  	_ =	swait.ge [sflag:s22], s20  }
0xa0: {  	s5 =	ssub.s32 $0x0, s20;
	[sflag:s22] =	ssyncset.done $0x0  }
0xa1: {  	[sflag:s22] =	ssyncadd.s32 s5;
	_ =	sdelay $0x1  }
0xa2: {  	s23 =	simm.s32 $0x1B8B  }
0xa3: {  	_ =	swait.ge [sflag:s23], $0x1  }
0xa4: {  	[sflag:s23] =	ssyncset.done $0x0  }
0xa5: {  	s25 =	simm.s32 $0x1B8E;
	s24 =	sld [smem:$0x3FFE];
	[sflag:s23] =	ssyncadd.s32 $0xFFFFFFFF  }
0xa6: {  	s26 =	simm.s32 $execute0_lowered;
	[smem:$0x3FD2] =	sst s25  }
0xa7: {  	s6 =	sshll.u32 s26, $0x1;
	_ =	strace $0x80000046;
	[dreg:$0x1] =	wrdreg $0xFFFFFFFF  }
0xa8: {  	s28 =	simm.s32 $_size_execute0_lowered;
	s4 =	sadd.s32 s4, s6;
	[dreg:$0x0] =	wrdreg $0x0  }
0xa9: {  	s6 =	sshll.u32 s28, $0x1;
	[dreg:$0x2] =	wrdreg s4  }
0xaa: {  	[dreg:$0x3] =	wrdreg s6  }
0xab: {  	[dreg:$0x4] =	wrdreg $0xC0  }
0xac: {  	_ =	task [dreg:s8], $0x5FFFF  }
0xad: {  	[dreg:$0x1] =	wrdreg $0xFFFFFFFF  }
0xae: {  	[dreg:$0x0] =	wrdreg $0x60  }
0xaf: {  	[dreg:$0x2] =	wrdreg s2  }
0xb0: {  	[dreg:$0x3] =	wrdreg s18  }
0xb1: {  	[dreg:$0x4] =	wrdreg s24  }
0xb2: {  	[dreg:$0x5] =	wrdreg $0x0  }
0xb3: {  	[dreg:$0x6] =	wrdreg $0x9  }
0xb4: {  	_ =	task.clear_ibuf [dreg:s8], $0x7FFFF;
	_ =	strace $0x90000046  }
0xb5: {  	s29 =	simm.s32 $0x9;
	_ =	strace $0x80000048  }
0xb6: {  	_ =	swait.ge [sflag:s29], $0x1  }
0xb7: {  	[sflag:s29] =	ssyncadd.s32 $0xFFFFFFFF  }
0xb8: {  	_ =	strace $0x90000048  }
0xb9: {  	_ =	sfence  }
0xba: {  	s30 =	sld [smem:$0x0];
	_ =	sdelay $0x2  }
0xbb: {  	s31 =	sshll.u32 s1, $0xD;
	s1 =	sshrl.u32 s1, $0x2  }
0xbc: {  	s3 =	sand.u32 $0x4000, s31;
	s1 =	sadd.s32 s1, s30  }
0xbd: {  	s0 =	sor.u32 s3, s0;
	s1 =	sshll.u32 s1, $0x11  }
0xbe: {  	s0 =	sor.u32 s1, s0  }
0xbf: {  	s0 =	sadd.s32 $0x8F2B, s0  }
0xc0: {  	[sflag:s0] =	ssyncadd.remote.s32 $0x1  }
0xc1: {  	_ =	sfence.sel $0xFFFF  }
0xc2: {  	[dreg:$0x0] =	wrdreg $0xFFFFFFFF;
	(pc) =	sbr.abs _section_cstart, $3  }
0xc3: {  	[dreg:$0x1] =	wrdreg $0xFFFFFFFF  }
0xc4: {  	_ =	task.clear_ibuf [dreg:s8], $0x2FFFF;
	_ =	strace $0x9FFFFFFF  }
0xc5: {  	(tm) =	ssettm $0x7FFFFFFF  }
tec
execute0_lowered:
.L_overlay_start_1:
0x0: {  	(tag) =	ssettag $0x1  }
0x1: {  	s1 =	rddreg [dreg:$0x0]  }
0x2: {  	s0 =	rddreg [dreg:$0x1]  }
0x3: {  	s5 =	rddreg [dreg:$0x2]  }
0x4: {  	s2 =	rddreg [dreg:$0x3];
	s4 =	simm.s32 $0x0  }
0x5: {  	s6 =	srdreg.scid;
	s3 =	stileid.u32;
	s22 =	simm.s32 $0x1FA80  }
0x6: {  	s28 =	simm.s32 $0x3;
	[smem:$0x7FF] =	sst s4;
	s17 =	sand.u32 $0x1, s6  }
0x7: {  	s7 =	smul.u32 $0x4F000, s3;
	s18 =	sadd.s32 $0x800, s5;
	s5 =	simm.s32 $0x4F  }
0x8: {  	s20 =	smul.u32 $0x2780, s3;
	s12 =	sadd.s32 $0x138400, s2;
	s30 =	sshll.u32 s3, $0x5  }
0x9: {  	_ =	strace $0x80000047;
	s6 =	ssub.s32 $0x2, s17;
	s14 =	smul.u32 $0x138800, s17  }
0xa: {  	s8 =	sshll.u32 s17, $0x4;
	s21 =	smul.u32 $0x27100, s17;
	s17 =	sshll.u32 s17, $0x9  }
0xb: {  	s23 =	sshrl.u32 s6, $0x1;
	s25 =	sor.u32 s3, s8;
	s24 =	sshrl.u32 s7, $0x2  }
0xc: {  	s19 =	ssub.s32 s6, s23;
	p0 =	slt.u32 s25, $0x4;
	s6 =	sadd.s32 s24, s2  }
0xd: {  	s11 =	sshll.u32 s25, $0x5;
	s15 =	sshrl.u32 s14, $0x3;
	s20 =	sadd.s32 s20, s21  }
0xe: {  	s21 =	simm.s32 $0x4;
	p1 =	sgt.u32 s25, $0x3;
	s5 =	simm.s32 @!p0 $0x4E  }
0xf: {  	s26 =	sadd.s32 $0x4000, s6;
	s8 =	sadd.s32 $0x8000, s6;
	s9 =	sadd.s32 $0xC000, s6  }
0x10: {  	s10 =	sadd.s32 $0x10000, s6;
	s11 =	sadd.s32 s0, s11;
	s16 =	sadd.s32 s18, s15  }
.Ltmp0:
0x11: {  	s0 =	sadd.s32 s17, s0;
	s31 =	sadd.s32 s18, s20;
	(pc) =	sbr.rel .LBB2_1-.Ltmp0, $4  }
0x12: {  	s18 =	smax.u32 s19, $0x1;
	p0 =	seq.s32 s3, $0xF;
	s20 =	simm.s32 $0x13A80  }
0x13: {  	[dreg:$0x5] =	wrdreg s26;
	s13 =	sadd.s32 $0x10, s11;
	s14 =	sadd.s32 $0x410, s11  }
0x14: {  	s29 =	sadd.s32 $0x25080, s16;
	[dreg:$0x7] =	wrdreg s31;
	s0 =	sadd.s32 s30, s0  }
0x15: {  	v0 =	vimm.f32 $0.0e+00;
	s15 =	sadd.s32 $0x400, s11;
	[dreg:$0x6] =	wrdreg s29;
	s19 =	sadd.s32 $0x800, s0  }
.LBB2_9:
0x16: {  	s0 =	sshrl.u32 s6, $0x3;
	s3 =	rddreg [dreg:$0x6];
	s7 =	simm.s32 $0x1FC4  }
0x17: {  	[hbm:s3], [sflag:s7] =	dma.local [spmem:s0], $0x2080  }
0x18: {  	_ =	swait.ge [sflag:s21], $0x2080  }
0x19: {  	[sflag:s21] =	ssyncset.done $0x0  }
0x1a: {  	[sflag:s21] =	ssyncadd.s32 $0xFFFFDF80  }
.LBB2_10:
0x1b: {  	s4 =	sadd.s32 $0x1, s4  }
0x1c: {  	p2 =	sne.s32 s4, s18  }
.Ltmp1:
0x1d: {  	_ = 	snop;
	(pc) =	sbr.rel @!p2 .LBB2_11-.Ltmp1, $1  }
0x1e: {  	_ =	sdelay $0x3  }
.LBB2_1:
0x1f: {  	s0 =	simm.s32 $0x0;
	s29 =	simm.s32 $0x200  }
.LBB2_2:
0x20: {  	p2 =	sne.s32 s29, $0xFE00;
	[tilespmem:s0+$0x13AF0] =	vst v0  }
0x21: {  	[tilespmem:s0+$0x13A80] =	vst v0  }
0x22: {  	[tilespmem:s0+$0x13A90] =	vst v0  }
.Ltmp2:
0x23: {  	[tilespmem:s0+$0x13AA0] =	vst v0;
	(pc) =	sbr.rel @p2 .LBB2_2-.Ltmp2, $4  }
0x24: {  	[tilespmem:s0+$0x13AB0] =	vst v0  }
0x25: {  	[tilespmem:s0+$0x13AC0] =	vst v0  }
0x26: {  	[tilespmem:s0+$0x13AD0] =	vst v0  }
0x27: {  	[tilespmem:s0+$0x13AE0] =	vst v0;
	s0 =	sshra.s32 s29, $0x2;
	s29 =	sadd.s32 $0x200, s29  }
0x28: {  	[tilespmem:s0+$0x13AF0] =	vst v0  }
0x29: {  	[tilespmem:s0+$0x13A80] =	vst v0  }
0x2a: {  	[tilespmem:s0+$0x13A90] =	vst v0  }
0x2b: {  	[tilespmem:s0+$0x13AA0] =	vst v0  }
0x2c: {  	[tilespmem:s0+$0x13AB0] =	vst v0  }
0x2d: {  	[tilespmem:s0+$0x13AC0] =	vst v0  }
0x2e: {  	[tilespmem:s0+$0x13AD0] =	vst v0  }
0x2f: {  	[tilespmem:s0+$0x13AE0] =	vst v0  }
0x30: {  	[spmem:s6] =	stream.linear.scatter [tilespmem:s20], [sflag:$0x4], $0x4000, $0x38;
	[tilespmem:$0x1FC80] =	vst v63  }
0x31: {  	_ =	swait.ge [sflag:s21], $0x4000  }
0x32: {  	[sflag:s21] =	ssyncset.done $0x0  }
0x33: {  	s16 =	rddreg [dreg:$0x5];
	[sflag:s21] =	ssyncadd.s32 $0xFFFFC000  }
0x34: {  	[spmem:s16] =	stream.linear.scatter [tilespmem:s20], [sflag:$0x4], $0x4000, $0x38;
	[tilespmem:$0x1FC80] =	vst v63  }
0x35: {  	_ =	swait.ge [sflag:s21], $0x4000  }
0x36: {  	[sflag:s21] =	ssyncset.done $0x0  }
0x37: {  	[sflag:s21] =	ssyncadd.s32 $0xFFFFC000  }
0x38: {  	[spmem:s8] =	stream.linear.scatter [tilespmem:s20], [sflag:$0x4], $0x4000, $0x38;
	[tilespmem:$0x1FC80] =	vst v63  }
0x39: {  	_ =	swait.ge [sflag:s21], $0x4000  }
0x3a: {  	[sflag:s21] =	ssyncset.done $0x0  }
0x3b: {  	[sflag:s21] =	ssyncadd.s32 $0xFFFFC000  }
0x3c: {  	[spmem:s9] =	stream.linear.scatter [tilespmem:s20], [sflag:$0x4], $0x4000, $0x38;
	[tilespmem:$0x1FC80] =	vst v63  }
0x3d: {  	_ =	swait.ge [sflag:s21], $0x4000  }
0x3e: {  	[sflag:s21] =	ssyncset.done $0x0  }
0x3f: {  	s0 =	simm.s32 @p0 $0x13A80;
	[sflag:s21] =	ssyncadd.s32 $0xFFFFC000  }
0x40: {  	[spmem:s12] =	stream.linear.scatter @p0 [tilespmem:s0], [sflag:$0x4], $0x400, $0x38;
	[tilespmem:$0x1FC80] =	vst v63  }
0x41: {  	s0 =	simm.s32 @p0 $0x4  }
0x42: {  	_ =	swait.ge @p0 [sflag:s0], $0x400  }
0x43: {  	[sflag:s0] =	ssyncset.done @p0 $0x0  }
0x44: {  	[sflag:s0] =	ssyncadd.s32 @p0 $0xFFFFFC00;
	s0 =	simm.s32 @!p0 $0x13A80  }
0x45: {  	[spmem:s10] =	stream.linear.scatter @!p0 [tilespmem:s0], [sflag:$0x4], $0x3C00, $0x38;
	[tilespmem:$0x1FC80] =	vst v63  }
0x46: {  	s0 =	simm.s32 @!p0 $0x4  }
0x47: {  	_ =	swait.ge @!p0 [sflag:s0], $0x3C00  }
0x48: {  	[sflag:s0] =	ssyncset.done @!p0 $0x0  }
0x49: {  	s30 =	simm.s32 $0x0;
	[sflag:s0] =	ssyncadd.s32 @!p0 $0xFFFFC400  }
0x4a: {  	[tilespmem:s22], [sflag:$0x4] =	stream.linear.gather [hbm4b:s13+s30], $0x80, $0x38;
	[tilespmem:$0x1FC80] =	vst v63  }
0x4b: {  	_ =	swait.ge [sflag:s21], $0x80  }
0x4c: {  	[sflag:s21] =	ssyncset.done $0x0  }
0x4d: {  	s17 =	simm.s32 $0x13880;
	[sflag:s21] =	ssyncadd.s32 $0xFFFFFF80  }
0x4e: {  	[tilespmem:s17], [sflag:$0x4] =	stream.linear.gather [hbm4b:s11+s30], $0x80, $0x38;
	[tilespmem:$0x1FC80] =	vst v63  }
0x4f: {  	_ =	swait.ge [sflag:s21], $0x80  }
0x50: {  	[sflag:s21] =	ssyncset.done $0x0  }
0x51: {  	s23 =	simm.s32 $0x80;
	[sflag:s21] =	ssyncadd.s32 $0xFFFFFF80  }
0x52: {  	[tilespmem:s20], [sflag:$0x1] =	stream.indirect.gather [hbm4b:s1+s23], $0x80, s22, s23, $0xb8;
	[tilespmem:$0x1FC80] =	vst v63  }
0x53: {  	s24 =	simm.s32 $0x1FB00  }
0x54: {  	[tilespmem:s24], [sflag:$0x2] =	stream.linear.gather [hbm4b:s14+s30], $0x80, $0x38;
	[tilespmem:$0x1FC80] =	vst v63  }
0x55: {  	s25 =	simm.s32 $0x13900;
	p2 =	sle.u32 s5, $0x1;
	s26 =	smul.u32 $0xAB, s30  }
0x56: {  	[tilespmem:s25], [sflag:$0x2] =	stream.linear.gather [hbm4b:s15+s30], $0x80, $0x38;
	[tilespmem:$0x1FC80] =	vst v63  }
0x57: {  	s31 =	simm.s32 @!p2 $0x2;
	s29 =	sadd.s32 $0xAB, s26;
	[bflag:$0x0] =	sbarrier.arrive $0xFFFF  }
0x58: {  	s3 =	simm.s32 $0x100;
	s29 =	sshrl.u32 s29, $0x9;
	_ =	swait.ge @!p2 [sflag:s31], $0x80  }
0x59: {  	s16 =	simm.s32 @!p2 $0x200;
	s29 =	sand.u32 $0x7F, s29;
	[sflag:s31] =	ssyncset.done @!p2 $0x0  }
0x5a: {  	s16 =	sand.u32 @!p2 $0x600, s16;
	s29 =	smul.u32 $0x3, s29;
	[sflag:s31] =	ssyncadd.s32 @!p2 $0xFFFFFF80  }
0x5b: {  	p3 =	por $0x1, $0x1;
	s16 =	sshrl.u32 @!p2 s16, $0x2;
	_ =	swait.ge @!p2 [sflag:s31], $0x80  }
0x5c: {  	s16 =	sadd.s32 @!p2 $0x1FA80, s16;
	s29 =	ssub.s32 $0x1, s29;
	[sflag:s31] =	ssyncset.done @!p2 $0x0  }
0x5d: {  	s29 =	sand.u32 $0xFF, s29;
	[sflag:s31] =	ssyncadd.s32 @!p2 $0xFFFFFF80;
	s31 =	simm.s32 @!p3 $0x3  }
0x5e: {  	s29 =	sshll.u32 @!p2 s29, $0xE;
	s0 =	sshrl.u32 s26, $0x9;
	_ =	swait.ge @!p3 [sflag:s31], $0x4000  }
0x5f: {  	s29 =	sadd.s32 @!p2 $0x13A80, s29;
	s0 =	sand.u32 $0x7F, s0;
	[sflag:s31] =	ssyncset.done @!p3 $0x0  }
0x60: {  	[sflag:s31] =	ssyncadd.s32 @!p3 $0xFFFFC000;
	s31 =	simm.s32 @!p2 $0x80;
	p3 =	sle.u32 s5, $0x2  }
0x61: {  	[tilespmem:s29], [sflag:$0x1] =	stream.indirect.gather @!p2 [hbm4b:s1+s31], $0x80, s16, s31, $0xb8;
	[tilespmem:$0x1FC80] =	vst v63  }
0x62: {  	s0 =	smul.u32 $0x3, s0;
	s3 =	sand.u32 @!p3 $0x180, s3  }
0x63: {  	s29 =	sadd.s32 @!p3 $0x10, s19;
	s31 =	simm.s32 @!p3 $0x0;
	s16 =	sadd.s32 @!p3 $0x1FA80, s3  }
0x64: {  	[tilespmem:s16], [sflag:$0x2] =	stream.linear.gather @!p3 [hbm4b:s29+s31], $0x80, $0x38;
	[tilespmem:$0x1FC80] =	vst v63  }
0x65: {  	s0 =	ssub.s32 $0x0, s0;
	p2 =	sle.u32 s5, $0x0;
	s3 =	sadd.s32 @!p3 $0x13880, s3  }
0x66: {  	[tilespmem:s3], [sflag:$0x2] =	stream.linear.gather @!p3 [hbm4b:s19+s31], $0x80, $0x38;
	[tilespmem:$0x1FC80] =	vst v63  }
0x67: {  	s0 =	sand.u32 $0xFF, s0;
	s3 =	simm.s32 @!p2 $0x1  }
0x68: {  	s0 =	sshll.u32 @!p2 s0, $0xE;
	s16 =	sand.u32 @!p2 $0x600, s30;
	_ =	swait.ge @!p2 [sflag:s3], $0x4000  }
0x69: {  	s0 =	sadd.s32 @!p2 $0x13A80, s0;
	s16 =	sshrl.u32 @!p2 s16, $0x2;
	[sflag:s3] =	ssyncset.done @!p2 $0x0  }
0x6a: {  	[sflag:s3] =	ssyncadd.s32 @!p2 $0xFFFFC000;
	s3 =	sadd.s32 @!p2 $0x13880, s16;
	s16 =	simm.s32 @!p2 $0x80  }
0x6b: {  	[spmem:s2] =	stream.indirect.scatter.add.f32 @!p2 [tilespmem:s0], [sflag:$0x3], $0x80, s3, s16, $0xb8;
	[tilespmem:$0x1FC80] =	vst v63  }
0x6c: {  	s29 =	sadd.s32 $0x400, s19;
	s31 =	simm.s32 $0x1;
	s0 =	simm.s32 $0x180  }
.LBB2_4:
0x6d: {  	s3 =	smul.u32 $0xAB, s31;
	s30 =	sadd.s32 $0x200, s30;
	s16 =	smov.u32 s31  }
0x6e: {  	s31 =	sadd.s32 $0x1, s31;
	s23 =	smov.u32 s0;
	s24 =	smov.u32 s29  }
0x6f: {  	p3 =	sge.u32 s31, s5;
	p2 =	sne.s32 s31, $0x4F  }
0x70: {  	s25 =	sadd.s32 $0xAB, s3;
	s26 =	simm.s32 @!p3 $0x2;
	s17 =	sadd.s32 @!p3 $0x200, s30  }
0x71: {  	s25 =	sshrl.u32 s25, $0x9;
	_ =	swait.ge @!p3 [sflag:s26], $0x80;
	s17 =	sand.u32 @!p3 $0x600, s17  }
0x72: {  	s25 =	sand.u32 $0x7F, s25;
	[sflag:s26] =	ssyncset.done @!p3 $0x0;
	s17 =	sshrl.u32 @!p3 s17, $0x2  }
0x73: {  	s25 =	smul.u32 $0x3, s25;
	[sflag:s26] =	ssyncadd.s32 @!p3 $0xFFFFFF80;
	s17 =	sadd.s32 @!p3 $0x1FA80, s17  }
0x74: {  	s0 =	sadd.s32 $0x80, s0;
	s3 =	sshrl.u32 s3, $0x9;
	_ =	swait.ge @!p3 [sflag:s26], $0x80  }
0x75: {  	p4 =	slt.u32 s16, $0x2;
	s25 =	ssub.s32 s31, s25;
	[sflag:s26] =	ssyncset.done @!p3 $0x0  }
0x76: {  	s25 =	sand.u32 $0xFF, s25;
	[sflag:s26] =	ssyncadd.s32 @!p3 $0xFFFFFF80;
	s26 =	simm.s32 @!p4 $0x3  }
0x77: {  	s3 =	sand.u32 $0x7F, s3;
	_ =	swait.ge @!p4 [sflag:s26], $0x4000;
	s25 =	sshll.u32 @!p3 s25, $0xE  }
0x78: {  	s7 =	sadd.s32 $0x2, s16;
	[sflag:s26] =	ssyncset.done @!p4 $0x0;
	s25 =	sadd.s32 @!p3 $0x13A80, s25  }
0x79: {  	[sflag:s26] =	ssyncadd.s32 @!p4 $0xFFFFC000;
	s26 =	simm.s32 @!p3 $0x80;
	p4 =	sge.u32 s7, s5  }
0x7a: {  	[tilespmem:s25], [sflag:$0x1] =	stream.indirect.gather @!p3 [hbm4b:s1+s26], $0x80, s17, s26, $0xb8;
	[tilespmem:$0x1FC80] =	vst v63  }
0x7b: {  	s29 =	sadd.s32 $0x400, s29;
	s3 =	smul.u32 $0x3, s3;
	s7 =	sand.u32 @!p4 $0x180, s23  }
0x7c: {  	s23 =	sadd.s32 @!p4 $0x10, s24;
	s25 =	simm.s32 @!p4 $0x0;
	s17 =	sadd.s32 @!p4 $0x1FA80, s7  }
0x7d: {  	[tilespmem:s17], [sflag:$0x2] =	stream.linear.gather @!p4 [hbm4b:s23+s25], $0x80, $0x38;
	[tilespmem:$0x1FC80] =	vst v63  }
0x7e: {  	s3 =	ssub.s32 s16, s3;
	p3 =	sge.u32 s16, s5;
	s7 =	sadd.s32 @!p4 $0x13880, s7  }
0x7f: {  	[tilespmem:s7], [sflag:$0x2] =	stream.linear.gather @!p4 [hbm4b:s24+s25], $0x80, $0x38;
	[tilespmem:$0x1FC80] =	vst v63  }
.Ltmp3:
0x80: {  	s3 =	sand.u32 $0xFF, s3;
	s7 =	simm.s32 @!p3 $0x1;
	(pc) =	sbr.rel @p2 .LBB2_4-.Ltmp3, $4  }
0x81: {  	s3 =	sshll.u32 @!p3 s3, $0xE;
	s16 =	sand.u32 @!p3 $0x600, s30;
	_ =	swait.ge @!p3 [sflag:s7], $0x4000  }
0x82: {  	s3 =	sadd.s32 @!p3 $0x13A80, s3;
	s16 =	sshrl.u32 @!p3 s16, $0x2;
	[sflag:s7] =	ssyncset.done @!p3 $0x0  }
0x83: {  	[sflag:s7] =	ssyncadd.s32 @!p3 $0xFFFFC000;
	s7 =	sadd.s32 @!p3 $0x13880, s16;
	s16 =	simm.s32 @!p3 $0x80  }
0x84: {  	[spmem:s2] =	stream.indirect.scatter.add.f32 @!p3 [tilespmem:s3], [sflag:$0x3], $0x80, s7, s16, $0xb8;
	[tilespmem:$0x1FC80] =	vst v63  }
.Ltmp4:
0x85: {  	(pc) =	sbr.rel @p1 .LBB2_7-.Ltmp4, $4  }
0x86: {  	_ = 	snop  }
0x87: {  	_ =	swait.ge [sflag:s28], $0x4000  }
0x88: {  	[sflag:s28] =	ssyncset.done $0x0  }
0x89: {  	[sflag:s28] =	ssyncadd.s32 $0xFFFFC000  }
.Ltmp5:
0x8a: {  	_ =	swait.ge [sflag:s28], $0x4000;
	(pc) =	sbr.rel .LBB2_8-.Ltmp5, $3  }
0x8b: {  	[sflag:s28] =	ssyncset.done $0x0  }
0x8c: {  	[sflag:s28] =	ssyncadd.s32 $0xFFFFC000  }
0x8d: {  	[bflag:$0x0] =	sbarrier.arrive $0xFFFF;
	_ =	sdelay $0x1  }
.LBB2_7:
.Ltmp6:
0x8e: {  	(pc) =	sbr.rel @p0 .LBB2_9-.Ltmp6, $2  }
0x8f: {  	_ =	sdelay $0x1  }
0x90: {  	[bflag:$0x0] =	sbarrier.arrive $0xFFFF;
	_ =	sdelay $0x1  }
.LBB2_8:
0x91: {  	s0 =	stileid.u32  }
0x92: {  	s3 =	sshrl.u32 s6, $0x3;
	s0 =	sshll.u32 s0, $0x6  }
.Ltmp7:
0x93: {  	s7 =	rddreg [dreg:$0x7];
	s0 =	sor.u32 $0x1C04, s0;
	(pc) =	sbr.rel .LBB2_10-.Ltmp7, $4  }
0x94: {  	[hbm:s7], [sflag:s0] =	dma.local [spmem:s3], $0x2780  }
0x95: {  	_ =	swait.ge [sflag:s21], $0x2780  }
0x96: {  	[sflag:s21] =	ssyncset.done $0x0  }
0x97: {  	[sflag:s21] =	ssyncadd.s32 $0xFFFFD880  }
.LBB2_11:
0x98: {  	_ =	sfence.sel $0x180000  }
0x99: {  	[bflag:$0x0] =	sbarrier.arrive $0xFFFF  }
0x9a: {  	_ =	strace $0x90000047  }
0x9b: {  	s0 =	stileid.u32;
	[bflag:$0x2] =	sbarrier.arrive $0xFFFF  }
0x9c: {  	p0 =	sne.s32 s0, $0x0;
	s0 =	rddreg [dreg:$0x4]  }
0x9d: {  	s0 =	sadd.s32 @!p0 $0x100000, s0  }
0x9e: {  	[sflag:s0] =	ssyncadd.tile.s32 @!p0 $0x1;
	_ =	shalt  }
.Lfunc_end2:
_tile_overlayer_lowered:
.L_overlay_start_2:
0x9f: {  	(tag) =	ssettag $0x2  }
0xa0: {  	s0 =	rddreg [dreg:$0x0];
	s2 =	stileid.u32  }
0xa1: {  	s1 =	rddreg [dreg:$0x1];
	p0 =	sne.s32 s2, $0x0  }
0xa2: {  	s3 =	rddreg [dreg:$0x2];
	[bflag:$0x3] =	sbarrier.arrive $0xFFFF;
	s2 =	simm.s32 @!p0 $0x1C04  }
0xa3: {  	[timem:s3], [sflag:s2] =	dma.local @!p0 [hbm:s0], s1  }
0xa4: {  	s0 =	simm.s32 @!p0 $0x4  }
0xa5: {  	_ =	swait.ge @!p0 [sflag:s0], s1  }
0xa6: {  	s1 =	ssub.s32 @!p0 $0x0, s1;
	[sflag:s0] =	ssyncset.done @!p0 $0x0  }
0xa7: {  	[sflag:s0] =	ssyncadd.s32 @!p0 s1  }
0xa8: {  	[bflag:$0x3] =	sbarrier.arrive $0xFFFF  }
0xa9: {  	_ =	shalt  }

</sc_bundles>
